<compile_context>
chip_gen: v7x
topology: tpu7x:2x2x1
jax: 0.10.2.dev20260603
libtpu: 0.0.44.dev20260713+nightly
codegen_flags: <defaults>
</compile_context>

<pallas_src>
import functools

import jax
import jax.numpy as jnp
from jax import lax
from jax.experimental import pallas as pl
from jax.experimental.pallas import tpu as pltpu
from jax.experimental.pallas import tpu_sc as plsc

B, S, D = 4, 4096, 2048
DFF = 4 * D
K = S // 4
NTOK = B * K
TD = 512
TT = 1024
ET = 1024
NE = (B * S) // ET


def _silu(z):
    return z / (1.0 + jnp.exp(-z))


_L = 16
_NW = 32
_GROWS = NTOK // _NW
_GCH = 32


def _u32key(f):
    bu = lax.bitcast_convert_type(f, jnp.uint32)
    neg = bu >= jnp.uint32(0x80000000)
    return jnp.where(neg, ~bu, bu | jnp.uint32(0x80000000))


def _sc_select_row(row, logits_hbm, gidx_hbm, rw_hbm, tar_hbm,
                   log_v, keys_v, idx_v, rwv_v, tar_v, sem):
    nch = S // _L
    pltpu.sync_copy(logits_hbm.at[row], log_v)

    def _keys(c, carry):
        f = log_v[pl.ds(c * _L, _L)]
        keys_v[pl.ds(c * _L, _L)] = _u32key(f)
        return carry
    lax.fori_loop(0, nch, _keys, 0, unroll=4)

    kk = jnp.full((_L,), K, jnp.int32)

    def _bit(i, t):
        t2 = t | (jnp.uint32(1) << (31 - i).astype(jnp.uint32))

        def _cnt(c, acc):
            kv = keys_v[pl.ds(c * _L, _L)]
            m = kv > t2
            return acc + plsc.all_reduce_population_count(m)
        cnt = lax.fori_loop(0, nch, _cnt, jnp.zeros((_L,), jnp.int32),
                            unroll=4)
        return jnp.where(cnt >= kk, t2, t)
    t = lax.fori_loop(0, 32, _bit, jnp.zeros((_L,), jnp.uint32))
    tau = t + jnp.uint32(1)

    def _cntg(c, acc):
        kv = keys_v[pl.ds(c * _L, _L)]
        return acc + plsc.all_reduce_population_count(kv > tau)
    g = lax.fori_loop(0, nch, _cntg, jnp.zeros((_L,), jnp.int32), unroll=4)
    need = kk - g

    gbase = row * S
    lane = lax.iota(jnp.int32, _L)

    def _compact(c, carry):
        off, eqc = carry
        kv = keys_v[pl.ds(c * _L, _L)]
        fv = log_v[pl.ds(c * _L, _L)]
        gt = kv > tau
        eq = kv == tau
        eqpos = eqc + plsc.cumsum(eq.astype(jnp.int32))
        sel = gt | (eq & (eqpos <= need))
        pos = off + plsc.cumsum(sel.astype(jnp.int32)) - 1
        gvec = gbase + c * _L + lane
        plsc.store_scatter(idx_v, [pos], gvec, mask=sel)
        plsc.store_scatter(rwv_v, [pos], fv, mask=sel)
        tar_v[pl.ds(c * _L, _L)] = jnp.where(sel, 1.0, 0.0)
        off = off + plsc.all_reduce_population_count(sel)
        eqc = eqc + plsc.all_reduce_population_count(eq)
        return off, eqc
    z = jnp.zeros((_L,), jnp.int32)
    lax.fori_loop(0, nch, _compact, (z, z), unroll=2)

    pltpu.sync_copy(idx_v, gidx_hbm.at[pl.ds(row * K, K)])
    pltpu.sync_copy(rwv_v, rw_hbm.at[pl.ds(row * K, K)])
    pltpu.sync_copy(tar_v, tar_hbm.at[pl.ds(row * S, S)])


def _sc_select_gather_body(logits_hbm, x_hbm,
                           gidx_hbm, rw_hbm, tar_hbm, xs_hbm,
                           log_v, keys_v, idx_v, rwv_v, tar_v,
                           idxc_v, rows_v, sem):
    c = lax.axis_index("c")
    s = lax.axis_index("s")
    wid = s * 2 + c

    @pl.when(s < B)
    def _():
        _sc_select_row(s, logits_hbm, gidx_hbm, rw_hbm, tar_hbm,
                       log_v, keys_v, idx_v, rwv_v, tar_v, sem)

    plsc.subcore_barrier()

    base = wid * _GROWS

    def _chunk(j, carry):
        st = base + j * _GCH
        pltpu.sync_copy(gidx_hbm.at[pl.ds(st, _GCH)], idxc_v)
        pltpu.async_copy(x_hbm.at[idxc_v], rows_v, sem).wait()
        pltpu.sync_copy(rows_v, xs_hbm.at[pl.ds(st, _GCH)])
        return carry
    lax.fori_loop(0, _GROWS // _GCH, _chunk, 0)


def _sc_select_gather(router_logits, x2d):
    mesh = plsc.VectorSubcoreMesh(core_axis_name="c", subcore_axis_name="s")
    f = pl.kernel(
        _sc_select_gather_body,
        out_type=[
            jax.ShapeDtypeStruct((NTOK,), jnp.int32),
            jax.ShapeDtypeStruct((NTOK,), jnp.float32),
            jax.ShapeDtypeStruct((B * S,), jnp.float32),
            jax.ShapeDtypeStruct((NTOK, D), jnp.float32),
        ],
        mesh=mesh,
        scratch_types=[
            pltpu.VMEM((S,), jnp.float32),
            pltpu.VMEM((S,), jnp.uint32),
            pltpu.VMEM((K,), jnp.int32),
            pltpu.VMEM((K,), jnp.float32),
            pltpu.VMEM((S,), jnp.float32),
            pltpu.VMEM((_GCH,), jnp.int32),
            pltpu.VMEM((_GCH, D), jnp.float32),
            pltpu.SemaphoreType.DMA,
        ],
        compiler_params=pltpu.CompilerParams(needs_layout_passes=False),
    )
    return f(router_logits, x2d)


def _sc_scatter_body(p_hbm, gidx2_hbm, pd_hbm, idxc_v, rows_v, sem):
    c = lax.axis_index("c")
    s = lax.axis_index("s")
    wid = s * 2 + c
    nch = NTOK // _GCH // _NW

    def _chunk(j, carry):
        r = wid * nch + j
        pltpu.sync_copy(gidx2_hbm.at[r], idxc_v)
        pltpu.sync_copy(p_hbm.at[pl.ds(r * _GCH, _GCH)], rows_v)
        pltpu.async_copy(rows_v, pd_hbm.at[idxc_v], sem).wait()
        return carry
    lax.fori_loop(0, nch, _chunk, 0)


def _sc_scatter(p, gidx):
    mesh = plsc.VectorSubcoreMesh(core_axis_name="c", subcore_axis_name="s")
    f = pl.kernel(
        _sc_scatter_body,
        out_type=jax.ShapeDtypeStruct((B * S, D), jnp.float32),
        mesh=mesh,
        scratch_types=[
            pltpu.VMEM((_GCH,), jnp.int32),
            pltpu.VMEM((_GCH, D), jnp.float32),
            pltpu.SemaphoreType.DMA,
        ],
        compiler_params=pltpu.CompilerParams(needs_layout_passes=False),
    )
    return f(p, gidx.reshape(NTOK // _GCH, _GCH))


def _mlp_body(rw_ref, xs_ref, w1_ref, b1_ref, w2_ref, b2_ref, out_ref):
    j = pl.program_id(1)

    @pl.when(j == 0)
    def _():
        out_ref[...] = jnp.zeros_like(out_ref)

    xb = xs_ref[...]
    w1 = w1_ref[...].astype(jnp.bfloat16)
    z = jnp.dot(xb, w1, preferred_element_type=jnp.float32) + b1_ref[...]
    h = _silu(z).astype(jnp.bfloat16)
    w2 = w2_ref[...].astype(jnp.bfloat16)
    out_ref[...] += jnp.dot(h, w2, preferred_element_type=jnp.float32)

    @pl.when(j == DFF // TD - 1)
    def _():
        out_ref[...] = (out_ref[...] + b2_ref[...]) * rw_ref[...]


def _mlp(xs_bf, rw_col, W1, b1, W2, b2):
    grid = (NTOK // TT, DFF // TD)
    return pl.pallas_call(
        _mlp_body,
        grid=grid,
        in_specs=[
            pl.BlockSpec((TT, 1), lambda i, j: (i, 0)),
            pl.BlockSpec((TT, D), lambda i, j: (i, 0)),
            pl.BlockSpec((D, TD), lambda i, j: (0, j)),
            pl.BlockSpec((1, TD), lambda i, j: (0, j)),
            pl.BlockSpec((TD, D), lambda i, j: (j, 0)),
            pl.BlockSpec((1, D), lambda i, j: (0, 0)),
        ],
        out_specs=pl.BlockSpec((TT, D), lambda i, j: (i, 0)),
        out_shape=jax.ShapeDtypeStruct((NTOK, D), jnp.float32),
        compiler_params=pltpu.CompilerParams(
            vmem_limit_bytes=64 * 1024 * 1024),
    )(rw_col, xs_bf, W1, b1.reshape(1, DFF), W2, b2.reshape(1, D))


def _merge_aux_body(x_ref, pd_ref, m_ref, wa1_ref, wa2_ref, ba1_ref, ba2_ref,
                    out_ref, aux_ref):
    i = pl.program_id(0)
    xt = x_ref[...]
    m = m_ref[...]
    out_ref[...] = jnp.where(m > 0.5, pd_ref[...], xt)

    wa1 = wa1_ref[...].astype(jnp.bfloat16)
    a = jnp.dot(xt.astype(jnp.bfloat16), wa1, preferred_element_type=jnp.float32)
    a = _silu(a + ba1_ref[...]).astype(jnp.bfloat16)
    z = jnp.sum(a.astype(jnp.float32) * wa2_ref[...], axis=1, keepdims=True)
    z = z + ba2_ref[0, 0]
    t = m
    bce = jnp.maximum(z, 0.0) - z * t + jnp.log1p(jnp.exp(-jnp.abs(z)))
    part = jnp.sum(bce)

    @pl.when(i == 0)
    def _():
        aux_ref[0, 0] = 0.0
    aux_ref[0, 0] += part


def _merge_aux(x2d, p_dense, mask_col, Wa1, ba1, Wa2, ba2):
    grid = (NE,)
    out, aux = pl.pallas_call(
        _merge_aux_body,
        grid=grid,
        in_specs=[
            pl.BlockSpec((ET, D), lambda i: (i, 0)),
            pl.BlockSpec((ET, D), lambda i: (i, 0)),
            pl.BlockSpec((ET, 1), lambda i: (i, 0)),
            pl.BlockSpec((D, D // 2), lambda i: (0, 0)),
            pl.BlockSpec((1, D // 2), lambda i: (0, 0)),
            pl.BlockSpec((1, D // 2), lambda i: (0, 0)),
            pl.BlockSpec((1, 1), lambda i: (0, 0), memory_space=pltpu.SMEM),
        ],
        out_specs=[
            pl.BlockSpec((ET, D), lambda i: (i, 0)),
            pl.BlockSpec((1, 1), lambda i: (0, 0), memory_space=pltpu.SMEM),
        ],
        out_shape=[
            jax.ShapeDtypeStruct((B * S, D), jnp.float32),
            jax.ShapeDtypeStruct((1, 1), jnp.float32),
        ],
        compiler_params=pltpu.CompilerParams(
            vmem_limit_bytes=64 * 1024 * 1024),
    )(x2d, p_dense, mask_col, Wa1, Wa2.reshape(1, D // 2),
      ba1.reshape(1, D // 2), ba2.reshape(1, 1))
    return out, aux


def kernel(x, w_router, W1, b1, W2, b2, Wa1, ba1, Wa2, ba2):
    router_logits = jnp.squeeze(x @ w_router, -1)
    x2d = x.reshape(B * S, D)

    gidx, rw, mask, xs = _sc_select_gather(router_logits, x2d)

    xs_bf = xs.astype(jnp.bfloat16)
    p = _mlp(xs_bf, rw.reshape(NTOK, 1), W1, b1, W2, b2)

    p_dense = _sc_scatter(p, gidx)

    out2d, aux = _merge_aux(x2d, p_dense, mask.reshape(B * S, 1),
                            Wa1, ba1, Wa2, ba2)
    aux_loss = aux[0, 0] / jnp.float32(B * S)
    return out2d.reshape(B, S, D), aux_loss

# --- scband reference (transcript-rebuilt; emitter-appended) ---
"""Pipeline reference for scband-praxis-mixture-of-depths-56298431316261 (READ-ONLY COPY).

The authoritative reference and input builder live on the scoring server;
editing this copy changes nothing except your own understanding.
"""

import jax, jax.numpy as jnp
import numpy as np

B, S, D = 4, 4096, 2048
DFF = 4 * D
CAP = 0.25


def setup_inputs(seed: int = 0) -> dict:
    key = jax.random.key(seed)
    ks = jax.random.split(key, 10)
    x = jax.random.normal(ks[0], (B, S, D), dtype=jnp.float32)
    w_router = jax.random.normal(ks[1], (D, 1), dtype=jnp.float32) * 0.02
    W1 = jax.random.normal(ks[2], (D, DFF), dtype=jnp.float32) * 0.02
    b1 = jnp.zeros((DFF,), dtype=jnp.float32)
    W2 = jax.random.normal(ks[3], (DFF, D), dtype=jnp.float32) * 0.02
    b2 = jnp.zeros((D,), dtype=jnp.float32)
    Wa1 = jax.random.normal(ks[4], (D, D // 2), dtype=jnp.float32) * 0.02
    ba1 = jnp.zeros((D // 2,), dtype=jnp.float32)
    Wa2 = jax.random.normal(ks[5], (D // 2, 1), dtype=jnp.float32) * 0.02
    ba2 = jnp.zeros((1,), dtype=jnp.float32)
    return {"x": x, "w_router": w_router, "W1": W1, "b1": b1, "W2": W2, "b2": b2,
            "Wa1": Wa1, "ba1": ba1, "Wa2": Wa2, "ba2": ba2}


def _bce_with_logits(z, t):
    return jnp.mean(jnp.maximum(z, 0.0) - z * t + jnp.log1p(jnp.exp(-jnp.abs(z))))


def reference(x, w_router, W1, b1, W2, b2, Wa1, ba1, Wa2, ba2):
    b, s, d = x.shape
    top_k = max(1, int(s * CAP))
    # router
    router_logits = jnp.squeeze(x @ w_router, -1)  # [b, s]
    vals, selected_indices = jax.lax.top_k(router_logits, top_k)  # [b, k]
    batch_indices = jnp.arange(b)[:, None]  # [b, 1] broadcasts with [b, k]
    x_selected = jnp.take_along_axis(x, selected_indices[..., None], axis=1)  # [b, k, d]
    router_weights = jnp.take_along_axis(router_logits, selected_indices, axis=1)[..., None]  # [b, k, 1]
    # block: MLP whose output is modulated by router weights (keeps routing differentiable)
    h = jax.nn.silu(x_selected @ W1 + b1)
    x_processed = (h @ W2 + b2) * router_weights  # [b, k, d]
    # scatter processed tokens back
    out = x.at[batch_indices, selected_indices].set(x_processed)
    # aux loss: train auxiliary router to predict selection mask
    targets = jnp.zeros_like(router_logits).at[batch_indices, selected_indices].set(1.0)
    xd = jax.lax.stop_gradient(x).reshape(-1, d)
    a = jax.nn.silu(xd @ Wa1 + ba1)
    aux_logits = jnp.squeeze(a @ Wa2 + ba2, -1)
    aux_loss = _bce_with_logits(aux_logits, targets.reshape(-1))
    return out, aux_loss


if False:  # reference __main__ guard neutralized (emitter)
    inp = setup_inputs()
    o, l = reference(**inp)
    print(o.shape, l)

if __name__ == "__main__":
    import jax
    _d = setup_inputs()
    print(jax.jit(kernel)(*tuple(_d.values())))

</pallas_src>

<mosaic_0001>
#map = affine_map<(d0, d1) -> (0, 0)>
module attributes {stable_mosaic.version = 14 : i64} {
  func.func @_sc_scatter_body(%arg0: i32, %arg1: i32, %arg2: memref<4096x2048xf32, #tpu.memory_space<hbm>>, %arg3: memref<128x32xi32, #tpu.memory_space<hbm>>, %arg4: memref<16384x2048xf32, #tpu.memory_space<hbm>>, %arg5: memref<32xi32, #tpu.memory_space<vmem>>, %arg6: memref<32x2048xf32, #tpu.memory_space<vmem>>, %arg7: memref<!tpu.dma_semaphore, #tpu.memory_space<semaphore_mem>>) attributes {dimension_semantics = [#tpu.dimension_semantics<core_parallel>, #tpu.dimension_semantics<subcore_parallel>], iteration_bounds = array<i64: 2, 16>, scalar_prefetch = 0 : i64, scratch_operands = 3 : i64, tpu.core_type = #tpu.core_type<sc_vector_subcore>, window_params = [{transform_indices = #map}, {transform_indices = #map}, {transform_indices = #map}]} {
    %mul3A = arith.constant 2 : i32
    %mul3A_0 = arith.muli %arg1, %mul3A : i32
    %add3A = arith.addi %mul3A_0, %arg0 : i32
    %scan3A = arith.constant 0 : i32
    %scan3A_1 = arith.constant 0 : i32
    %scan3A_2 = arith.constant 4 : i32
    %scan3A_3 = arith.addi %scan3A_1, %scan3A_2 : i32
    %scan3A_4 = arith.constant 1 : i32
    scf.for %scan3A_6 = %scan3A_1 to %scan3A_3 step %scan3A_4  : i32 {
      %mul3A_7 = arith.constant 4 : i32
      %mul3A_8 = arith.muli %add3A, %mul3A_7 : i32
      %add3A_9 = arith.addi %mul3A_8, %scan3A_6 : i32
      "tpu.region"() ({
        %run_scoped3A = tpu.sem_alloc : memref<!tpu.dma_semaphore, #tpu.memory_space<semaphore_mem>>
        %dma_start3A_16 = arith.constant 0 : i32
        %dma_start3A_17 = tpu.memref_slice %arg3[%add3A_9, %dma_start3A_16] : memref<128x32xi32, #tpu.memory_space<hbm>> -> memref<1x32xi32, #tpu.memory_space<hbm>>
        %dma_start3A_18 = tpu.memref_squeeze %dma_start3A_17 : memref<1x32xi32, #tpu.memory_space<hbm>> -> memref<32xi32, #tpu.memory_space<hbm>>
        %dma_start3A_19 = arith.constant 0 : i32
        %dma_start3A_20 = tpu.memref_slice %arg3[%add3A_9, %dma_start3A_19] : memref<128x32xi32, #tpu.memory_space<hbm>> -> memref<1x32xi32, #tpu.memory_space<hbm>>
        %dma_start3A_21 = tpu.memref_squeeze %dma_start3A_20 : memref<1x32xi32, #tpu.memory_space<hbm>> -> memref<32xi32, #tpu.memory_space<hbm>>
        tpu.enqueue_dma source(%dma_start3A_21 : memref<32xi32, #tpu.memory_space<hbm>>) target(%arg5 : memref<32xi32, #tpu.memory_space<vmem>>) target_semaphore(%run_scoped3A : memref<!tpu.dma_semaphore, #tpu.memory_space<semaphore_mem>>)
        %dma_wait3A_22 = arith.constant 0 : i32
        %dma_wait3A_23 = tpu.memref_slice %arg3[%add3A_9, %dma_wait3A_22] : memref<128x32xi32, #tpu.memory_space<hbm>> -> memref<1x32xi32, #tpu.memory_space<hbm>>
        %dma_wait3A_24 = tpu.memref_squeeze %dma_wait3A_23 : memref<1x32xi32, #tpu.memory_space<hbm>> -> memref<32xi32, #tpu.memory_space<hbm>>
        %dma_wait3A_25 = arith.constant 0 : i32
        %dma_wait3A_26 = tpu.memref_slice %arg3[%add3A_9, %dma_wait3A_25] : memref<128x32xi32, #tpu.memory_space<hbm>> -> memref<1x32xi32, #tpu.memory_space<hbm>>
        %dma_wait3A_27 = tpu.memref_squeeze %dma_wait3A_26 : memref<1x32xi32, #tpu.memory_space<hbm>> -> memref<32xi32, #tpu.memory_space<hbm>>
        tpu.wait_dma2 semaphore(%run_scoped3A : memref<!tpu.dma_semaphore, #tpu.memory_space<semaphore_mem>>) src(%dma_wait3A_27 : memref<32xi32, #tpu.memory_space<hbm>>) dst(%arg5 : memref<32xi32, #tpu.memory_space<vmem>>)
        tpu.yield
      }) : () -> ()
      %mul3A_10 = arith.constant 32 : i32
      %mul3A_11 = arith.muli %add3A_9, %mul3A_10 : i32
      "tpu.region"() ({
        %run_scoped3A = tpu.sem_alloc : memref<!tpu.dma_semaphore, #tpu.memory_space<semaphore_mem>>
        %dma_start3A_16 = arith.constant 0 : i32
        %dma_start3A_17 = tpu.memref_slice %arg2[%mul3A_11, %dma_start3A_16] : memref<4096x2048xf32, #tpu.memory_space<hbm>> -> memref<32x2048xf32, #tpu.memory_space<hbm>>
        %dma_start3A_18 = arith.constant 0 : i32
        %dma_start3A_19 = tpu.memref_slice %arg2[%mul3A_11, %dma_start3A_18] : memref<4096x2048xf32, #tpu.memory_space<hbm>> -> memref<32x2048xf32, #tpu.memory_space<hbm>>
        tpu.enqueue_dma source(%dma_start3A_19 : memref<32x2048xf32, #tpu.memory_space<hbm>>) target(%arg6 : memref<32x2048xf32, #tpu.memory_space<vmem>>) target_semaphore(%run_scoped3A : memref<!tpu.dma_semaphore, #tpu.memory_space<semaphore_mem>>)
        %dma_wait3A_20 = arith.constant 0 : i32
        %dma_wait3A_21 = tpu.memref_slice %arg2[%mul3A_11, %dma_wait3A_20] : memref<4096x2048xf32, #tpu.memory_space<hbm>> -> memref<32x2048xf32, #tpu.memory_space<hbm>>
        %dma_wait3A_22 = arith.constant 0 : i32
        %dma_wait3A_23 = tpu.memref_slice %arg2[%mul3A_11, %dma_wait3A_22] : memref<4096x2048xf32, #tpu.memory_space<hbm>> -> memref<32x2048xf32, #tpu.memory_space<hbm>>
        tpu.wait_dma2 semaphore(%run_scoped3A : memref<!tpu.dma_semaphore, #tpu.memory_space<semaphore_mem>>) src(%dma_wait3A_23 : memref<32x2048xf32, #tpu.memory_space<hbm>>) dst(%arg6 : memref<32x2048xf32, #tpu.memory_space<vmem>>)
        tpu.yield
      }) : () -> ()
      %dma_start3A = arith.constant 0 : i32
      %dma_start3A_12 = arith.constant 0 : i32
      %dma_start3A_13 = tpu.memref_slice %arg4[%dma_start3A, %dma_start3A_12] : memref<16384x2048xf32, #tpu.memory_space<hbm>> -> memref<16384x2048xf32, #tpu.memory_space<hbm>>
      tpu.enqueue_indirect_dma source(%arg6 : memref<32x2048xf32, #tpu.memory_space<vmem>>) target(%dma_start3A_13 : memref<16384x2048xf32, #tpu.memory_space<hbm>>) offsets(%arg5 : memref<32xi32, #tpu.memory_space<vmem>>) semaphore(%arg7 : memref<!tpu.dma_semaphore, #tpu.memory_space<semaphore_mem>>)
      %dma_wait3A = arith.constant 0 : i32
      %dma_wait3A_14 = arith.constant 0 : i32
      %dma_wait3A_15 = tpu.memref_slice %arg4[%dma_wait3A, %dma_wait3A_14] : memref<16384x2048xf32, #tpu.memory_space<hbm>> -> memref<16384x2048xf32, #tpu.memory_space<hbm>>
      tpu.wait_indirect_dma semaphore(%arg7 : memref<!tpu.dma_semaphore, #tpu.memory_space<semaphore_mem>>) src(%arg6 : memref<32x2048xf32, #tpu.memory_space<vmem>>) dst(%dma_wait3A_15 : memref<16384x2048xf32, #tpu.memory_space<hbm>>)
    }
    %scan3A_5 = arith.constant 4 : i32
    return
  }
}

#map = affine_map<(d0, d1) -> (0, 0)>
#map1 = affine_map<(d0, d1) -> (0)>
module attributes {stable_mosaic.version = 14 : i64} {
  func.func @_sc_select_gather_body(%arg0: i32, %arg1: i32, %arg2: memref<4x4096xf32, #tpu.memory_space<hbm>>, %arg3: memref<16384x2048xf32, #tpu.memory_space<hbm>>, %arg4: memref<4096xi32, #tpu.memory_space<hbm>>, %arg5: memref<4096xf32, #tpu.memory_space<hbm>>, %arg6: memref<16384xf32, #tpu.memory_space<hbm>>, %arg7: memref<4096x2048xf32, #tpu.memory_space<hbm>>, %arg8: memref<4096xf32, #tpu.memory_space<vmem>>, %arg9: memref<4096xi32, #tpu.memory_space<vmem>>, %arg10: memref<1024xi32, #tpu.memory_space<vmem>>, %arg11: memref<1024xf32, #tpu.memory_space<vmem>>, %arg12: memref<4096xf32, #tpu.memory_space<vmem>>, %arg13: memref<32xi32, #tpu.memory_space<vmem>>, %arg14: memref<32x2048xf32, #tpu.memory_space<vmem>>, %arg15: memref<!tpu.dma_semaphore, #tpu.memory_space<semaphore_mem>>) attributes {dimension_semantics = [#tpu.dimension_semantics<core_parallel>, #tpu.dimension_semantics<subcore_parallel>], iteration_bounds = array<i64: 2, 16>, scalar_prefetch = 0 : i64, scratch_operands = 8 : i64, tpu.core_type = #tpu.core_type<sc_vector_subcore>, window_params = [{transform_indices = #map}, {transform_indices = #map}, {transform_indices = #map1}, {transform_indices = #map1}, {transform_indices = #map1}, {transform_indices = #map}]} {
    %mul3A = arith.constant 2 : i32
    %mul3A_0 = arith.muli %arg1, %mul3A : i32
    %add3A = arith.addi %mul3A_0, %arg0 : i32
    %lt3A = arith.constant 4 : i32
    %lt3A_1 = arith.cmpi slt, %arg1, %lt3A : i32
    %convert_element_type3A = arith.extui %lt3A_1 : i1 to i32
    %cond3A = arith.constant 0 : i32
    %cond3A_2 = arith.cmpi ne, %convert_element_type3A, %cond3A : i32
    scf.if %cond3A_2 {
      "tpu.region"() ({
        %run_scoped3A = tpu.sem_alloc : memref<!tpu.dma_semaphore, #tpu.memory_space<semaphore_mem>>
        %dma_start3A = arith.constant 0 : i32
        %dma_start3A_52 = tpu.memref_slice %arg2[%arg1, %dma_start3A] : memref<4x4096xf32, #tpu.memory_space<hbm>> -> memref<1x4096xf32, #tpu.memory_space<hbm>>
        %dma_start3A_53 = tpu.memref_squeeze %dma_start3A_52 : memref<1x4096xf32, #tpu.memory_space<hbm>> -> memref<4096xf32, #tpu.memory_space<hbm>>
        %dma_start3A_54 = arith.constant 0 : i32
        %dma_start3A_55 = tpu.memref_slice %arg2[%arg1, %dma_start3A_54] : memref<4x4096xf32, #tpu.memory_space<hbm>> -> memref<1x4096xf32, #tpu.memory_space<hbm>>
        %dma_start3A_56 = tpu.memref_squeeze %dma_start3A_55 : memref<1x4096xf32, #tpu.memory_space<hbm>> -> memref<4096xf32, #tpu.memory_space<hbm>>
        tpu.enqueue_dma source(%dma_start3A_56 : memref<4096xf32, #tpu.memory_space<hbm>>) target(%arg8 : memref<4096xf32, #tpu.memory_space<vmem>>) target_semaphore(%run_scoped3A : memref<!tpu.dma_semaphore, #tpu.memory_space<semaphore_mem>>)
        %dma_wait3A = arith.constant 0 : i32
        %dma_wait3A_57 = tpu.memref_slice %arg2[%arg1, %dma_wait3A] : memref<4x4096xf32, #tpu.memory_space<hbm>> -> memref<1x4096xf32, #tpu.memory_space<hbm>>
        %dma_wait3A_58 = tpu.memref_squeeze %dma_wait3A_57 : memref<1x4096xf32, #tpu.memory_space<hbm>> -> memref<4096xf32, #tpu.memory_space<hbm>>
        %dma_wait3A_59 = arith.constant 0 : i32
        %dma_wait3A_60 = tpu.memref_slice %arg2[%arg1, %dma_wait3A_59] : memref<4x4096xf32, #tpu.memory_space<hbm>> -> memref<1x4096xf32, #tpu.memory_space<hbm>>
        %dma_wait3A_61 = tpu.memref_squeeze %dma_wait3A_60 : memref<1x4096xf32, #tpu.memory_space<hbm>> -> memref<4096xf32, #tpu.memory_space<hbm>>
        tpu.wait_dma2 semaphore(%run_scoped3A : memref<!tpu.dma_semaphore, #tpu.memory_space<semaphore_mem>>) src(%dma_wait3A_61 : memref<4096xf32, #tpu.memory_space<hbm>>) dst(%arg8 : memref<4096xf32, #tpu.memory_space<vmem>>)
        tpu.yield
      }) : () -> ()
      %scan3A_10 = arith.constant 0 : i32
      %scan3A_11 = arith.constant 0 : i32
      %scan3A_12 = arith.constant 256 : i32
      %scan3A_13 = arith.addi %scan3A_11, %scan3A_12 : i32
      %scan3A_14 = arith.constant 4 : i32
      scf.for %scan3A_52 = %scan3A_11 to %scan3A_13 step %scan3A_14  : i32 {
        %mul3A_53 = arith.constant 16 : i32
        %mul3A_54 = arith.muli %scan3A_52, %mul3A_53 : i32
        %get3A = arith.index_cast %mul3A_54 : i32 to index
        %get3A_55 = tpu.vector_load %arg8[%get3A] {strides = array<i32>} : memref<4096xf32, #tpu.memory_space<vmem>>, vector<16xf32>,
        %bitcast_convert_type3A = tpu.bitcast %get3A_55 : vector<16xf32> -> vector<16xi32>
        %ge3A = arith.constant -2147483648 : i32
        %ge3A_56 = vector.broadcast %ge3A : i32 to vector<16xi32>
        %ge3A_57 = arith.cmpi uge, %bitcast_convert_type3A, %ge3A_56 : vector<16xi32>
        %not3A = arith.constant dense<-1> : vector<16xi32>
        %not3A_58 = arith.xori %bitcast_convert_type3A, %not3A : vector<16xi32>
        %or3A = arith.constant -2147483648 : i32
        %or3A_59 = vector.broadcast %or3A : i32 to vector<16xi32>
        %or3A_60 = arith.ori %bitcast_convert_type3A, %or3A_59 : vector<16xi32>
        %select_n3A = arith.select %ge3A_57, %not3A_58, %or3A_60 : vector<16xi1>, vector<16xi32>
        %mul3A_61 = arith.constant 16 : i32
        %mul3A_62 = arith.muli %scan3A_52, %mul3A_61 : i32
        %swap3A = arith.index_cast %mul3A_62 : i32 to index
        %swap3A_63 = tpu.vector_load %arg9[%swap3A] {strides = array<i32>} : memref<4096xi32, #tpu.memory_space<vmem>>, vector<16xi32>,
        tpu.vector_store %arg9[%swap3A], %select_n3A {strides = array<i32>} : memref<4096xi32, #tpu.memory_space<vmem>>, vector<16xi32>,
        %scan3A_64 = arith.constant 1 : i32
        %scan3A_65 = arith.addi %scan3A_52, %scan3A_64 : i32
        %mul3A_66 = arith.constant 16 : i32
        %mul3A_67 = arith.muli %scan3A_65, %mul3A_66 : i32
        %get3A_68 = arith.index_cast %mul3A_67 : i32 to index
        %get3A_69 = tpu.vector_load %arg8[%get3A_68] {strides = array<i32>} : memref<4096xf32, #tpu.memory_space<vmem>>, vector<16xf32>,
        %bitcast_convert_type3A_70 = tpu.bitcast %get3A_69 : vector<16xf32> -> vector<16xi32>
        %ge3A_71 = arith.constant -2147483648 : i32
        %ge3A_72 = vector.broadcast %ge3A_71 : i32 to vector<16xi32>
        %ge3A_73 = arith.cmpi uge, %bitcast_convert_type3A_70, %ge3A_72 : vector<16xi32>
        %not3A_74 = arith.constant dense<-1> : vector<16xi32>
        %not3A_75 = arith.xori %bitcast_convert_type3A_70, %not3A_74 : vector<16xi32>
        %or3A_76 = arith.constant -2147483648 : i32
        %or3A_77 = vector.broadcast %or3A_76 : i32 to vector<16xi32>
        %or3A_78 = arith.ori %bitcast_convert_type3A_70, %or3A_77 : vector<16xi32>
        %select_n3A_79 = arith.select %ge3A_73, %not3A_75, %or3A_78 : vector<16xi1>, vector<16xi32>
        %mul3A_80 = arith.constant 16 : i32
        %mul3A_81 = arith.muli %scan3A_65, %mul3A_80 : i32
        %swap3A_82 = arith.index_cast %mul3A_81 : i32 to index
        %swap3A_83 = tpu.vector_load %arg9[%swap3A_82] {strides = array<i32>} : memref<4096xi32, #tpu.memory_space<vmem>>, vector<16xi32>,
        tpu.vector_store %arg9[%swap3A_82], %select_n3A_79 {strides = array<i32>} : memref<4096xi32, #tpu.memory_space<vmem>>, vector<16xi32>,
        %scan3A_84 = arith.constant 2 : i32
        %scan3A_85 = arith.addi %scan3A_52, %scan3A_84 : i32
        %mul3A_86 = arith.constant 16 : i32
        %mul3A_87 = arith.muli %scan3A_85, %mul3A_86 : i32
        %get3A_88 = arith.index_cast %mul3A_87 : i32 to index
        %get3A_89 = tpu.vector_load %arg8[%get3A_88] {strides = array<i32>} : memref<4096xf32, #tpu.memory_space<vmem>>, vector<16xf32>,
        %bitcast_convert_type3A_90 = tpu.bitcast %get3A_89 : vector<16xf32> -> vector<16xi32>
        %ge3A_91 = arith.constant -2147483648 : i32
        %ge3A_92 = vector.broadcast %ge3A_91 : i32 to vector<16xi32>
        %ge3A_93 = arith.cmpi uge, %bitcast_convert_type3A_90, %ge3A_92 : vector<16xi32>
        %not3A_94 = arith.constant dense<-1> : vector<16xi32>
        %not3A_95 = arith.xori %bitcast_convert_type3A_90, %not3A_94 : vector<16xi32>
        %or3A_96 = arith.constant -2147483648 : i32
        %or3A_97 = vector.broadcast %or3A_96 : i32 to vector<16xi32>
        %or3A_98 = arith.ori %bitcast_convert_type3A_90, %or3A_97 : vector<16xi32>
        %select_n3A_99 = arith.select %ge3A_93, %not3A_95, %or3A_98 : vector<16xi1>, vector<16xi32>
        %mul3A_100 = arith.constant 16 : i32
        %mul3A_101 = arith.muli %scan3A_85, %mul3A_100 : i32
        %swap3A_102 = arith.index_cast %mul3A_101 : i32 to index
        %swap3A_103 = tpu.vector_load %arg9[%swap3A_102] {strides = array<i32>} : memref<4096xi32, #tpu.memory_space<vmem>>, vector<16xi32>,
        tpu.vector_store %arg9[%swap3A_102], %select_n3A_99 {strides = array<i32>} : memref<4096xi32, #tpu.memory_space<vmem>>, vector<16xi32>,
        %scan3A_104 = arith.constant 3 : i32
        %scan3A_105 = arith.addi %scan3A_52, %scan3A_104 : i32
        %mul3A_106 = arith.constant 16 : i32
        %mul3A_107 = arith.muli %scan3A_105, %mul3A_106 : i32
        %get3A_108 = arith.index_cast %mul3A_107 : i32 to index
        %get3A_109 = tpu.vector_load %arg8[%get3A_108] {strides = array<i32>} : memref<4096xf32, #tpu.memory_space<vmem>>, vector<16xf32>,
        %bitcast_convert_type3A_110 = tpu.bitcast %get3A_109 : vector<16xf32> -> vector<16xi32>
        %ge3A_111 = arith.constant -2147483648 : i32
        %ge3A_112 = vector.broadcast %ge3A_111 : i32 to vector<16xi32>
        %ge3A_113 = arith.cmpi uge, %bitcast_convert_type3A_110, %ge3A_112 : vector<16xi32>
        %not3A_114 = arith.constant dense<-1> : vector<16xi32>
        %not3A_115 = arith.xori %bitcast_convert_type3A_110, %not3A_114 : vector<16xi32>
        %or3A_116 = arith.constant -2147483648 : i32
        %or3A_117 = vector.broadcast %or3A_116 : i32 to vector<16xi32>
        %or3A_118 = arith.ori %bitcast_convert_type3A_110, %or3A_117 : vector<16xi32>
        %select_n3A_119 = arith.select %ge3A_113, %not3A_115, %or3A_118 : vector<16xi1>, vector<16xi32>
        %mul3A_120 = arith.constant 16 : i32
        %mul3A_121 = arith.muli %scan3A_105, %mul3A_120 : i32
        %swap3A_122 = arith.index_cast %mul3A_121 : i32 to index
        %swap3A_123 = tpu.vector_load %arg9[%swap3A_122] {strides = array<i32>} : memref<4096xi32, #tpu.memory_space<vmem>>, vector<16xi32>,
        tpu.vector_store %arg9[%swap3A_122], %select_n3A_119 {strides = array<i32>} : memref<4096xi32, #tpu.memory_space<vmem>>, vector<16xi32>,
      }
      %scan3A_15 = arith.constant 256 : i32
      %broadcast_in_dim3A = arith.constant 1024 : i32
      %broadcast_in_dim3A_16 = vector.broadcast %broadcast_in_dim3A : i32 to vector<16xi32>
      %broadcast_in_dim3A_17 = arith.constant 0 : i32
      %broadcast_in_dim3A_18 = vector.broadcast %broadcast_in_dim3A_17 : i32 to vector<16xi32>
      %scan3A_19 = arith.constant 0 : i32
      %scan3A_20 = arith.constant 32 : i32
      %scan3A_21 = arith.addi %scan3A_19, %scan3A_20 : i32
      %scan3A_22 = arith.constant 1 : i32
      %scan3A_23 = scf.for %scan3A_52 = %scan3A_19 to %scan3A_21 step %scan3A_22 iter_args(%scan3A_53 = %broadcast_in_dim3A_18) -> (vector<16xi32>)  : i32 {
        %sub3A_54 = arith.constant 31 : i32
        %sub3A_55 = arith.subi %sub3A_54, %scan3A_52 : i32
        %shift_left3A = arith.constant 1 : i32
        %shift_left3A_56 = arith.shli %shift_left3A, %sub3A_55 : i32
        %or3A = vector.broadcast %shift_left3A_56 : i32 to vector<16xi32>
        %or3A_57 = arith.ori %scan3A_53, %or3A : vector<16xi32>
        %broadcast_in_dim3A_58 = arith.constant 0 : i32
        %broadcast_in_dim3A_59 = vector.broadcast %broadcast_in_dim3A_58 : i32 to vector<16xi32>
        %scan3A_60 = arith.constant 0 : i32
        %scan3A_61 = arith.constant 256 : i32
        %scan3A_62 = arith.addi %scan3A_60, %scan3A_61 : i32
        %scan3A_63 = arith.constant 4 : i32
        %scan3A_64 = scf.for %scan3A_66 = %scan3A_60 to %scan3A_62 step %scan3A_63 iter_args(%scan3A_67 = %broadcast_in_dim3A_59) -> (vector<16xi32>)  : i32 {
          %mul3A_68 = arith.constant 16 : i32
          %mul3A_69 = arith.muli %scan3A_66, %mul3A_68 : i32
          %get3A = arith.index_cast %mul3A_69 : i32 to index
          %get3A_70 = tpu.vector_load %arg9[%get3A] {strides = array<i32>} : memref<4096xi32, #tpu.memory_space<vmem>>, vector<16xi32>,
          %gt3A = arith.cmpi ugt, %get3A_70, %or3A_57 : vector<16xi32>
          %all_reduce_population_count3A = tpu.all_reduce %gt3A {dim = 0 : i64, kind = #tpu.reduction_kind<sum>} : vector<16xi1> -> vector<16xi32>
          %add3A_71 = arith.addi %scan3A_67, %all_reduce_population_count3A : vector<16xi32>
          %scan3A_72 = arith.constant 1 : i32
          %scan3A_73 = arith.addi %scan3A_66, %scan3A_72 : i32
          %mul3A_74 = arith.constant 16 : i32
          %mul3A_75 = arith.muli %scan3A_73, %mul3A_74 : i32
          %get3A_76 = arith.index_cast %mul3A_75 : i32 to index
          %get3A_77 = tpu.vector_load %arg9[%get3A_76] {strides = array<i32>} : memref<4096xi32, #tpu.memory_space<vmem>>, vector<16xi32>,
          %gt3A_78 = arith.cmpi ugt, %get3A_77, %or3A_57 : vector<16xi32>
          %all_reduce_population_count3A_79 = tpu.all_reduce %gt3A_78 {dim = 0 : i64, kind = #tpu.reduction_kind<sum>} : vector<16xi1> -> vector<16xi32>
          %add3A_80 = arith.addi %add3A_71, %all_reduce_population_count3A_79 : vector<16xi32>
          %scan3A_81 = arith.constant 2 : i32
          %scan3A_82 = arith.addi %scan3A_66, %scan3A_81 : i32
          %mul3A_83 = arith.constant 16 : i32
          %mul3A_84 = arith.muli %scan3A_82, %mul3A_83 : i32
          %get3A_85 = arith.index_cast %mul3A_84 : i32 to index
          %get3A_86 = tpu.vector_load %arg9[%get3A_85] {strides = array<i32>} : memref<4096xi32, #tpu.memory_space<vmem>>, vector<16xi32>,
          %gt3A_87 = arith.cmpi ugt, %get3A_86, %or3A_57 : vector<16xi32>
          %all_reduce_population_count3A_88 = tpu.all_reduce %gt3A_87 {dim = 0 : i64, kind = #tpu.reduction_kind<sum>} : vector<16xi1> -> vector<16xi32>
          %add3A_89 = arith.addi %add3A_80, %all_reduce_population_count3A_88 : vector<16xi32>
          %scan3A_90 = arith.constant 3 : i32
          %scan3A_91 = arith.addi %scan3A_66, %scan3A_90 : i32
          %mul3A_92 = arith.constant 16 : i32
          %mul3A_93 = arith.muli %scan3A_91, %mul3A_92 : i32
          %get3A_94 = arith.index_cast %mul3A_93 : i32 to index
          %get3A_95 = tpu.vector_load %arg9[%get3A_94] {strides = array<i32>} : memref<4096xi32, #tpu.memory_space<vmem>>, vector<16xi32>,
          %gt3A_96 = arith.cmpi ugt, %get3A_95, %or3A_57 : vector<16xi32>
          %all_reduce_population_count3A_97 = tpu.all_reduce %gt3A_96 {dim = 0 : i64, kind = #tpu.reduction_kind<sum>} : vector<16xi1> -> vector<16xi32>
          %add3A_98 = arith.addi %add3A_89, %all_reduce_population_count3A_97 : vector<16xi32>
          scf.yield %add3A_98 : vector<16xi32>
        }
        %scan3A_65 = arith.constant 256 : i32
        %ge3A = arith.cmpi sge, %scan3A_64, %broadcast_in_dim3A_16 : vector<16xi32>
        %select_n3A = arith.select %ge3A, %or3A_57, %scan3A_53 : vector<16xi1>, vector<16xi32>
        scf.yield %select_n3A : vector<16xi32>
      }
      %scan3A_24 = arith.constant 32 : i32
      %add3A_25 = arith.constant 1 : i32
      %add3A_26 = vector.broadcast %add3A_25 : i32 to vector<16xi32>
      %add3A_27 = arith.addi %scan3A_23, %add3A_26 : vector<16xi32>
      %broadcast_in_dim3A_28 = arith.constant 0 : i32
      %broadcast_in_dim3A_29 = vector.broadcast %broadcast_in_dim3A_28 : i32 to vector<16xi32>
      %scan3A_30 = arith.constant 0 : i32
      %scan3A_31 = arith.constant 256 : i32
      %scan3A_32 = arith.addi %scan3A_30, %scan3A_31 : i32
      %scan3A_33 = arith.constant 4 : i32
      %scan3A_34 = scf.for %scan3A_52 = %scan3A_30 to %scan3A_32 step %scan3A_33 iter_args(%scan3A_53 = %broadcast_in_dim3A_29) -> (vector<16xi32>)  : i32 {
        %mul3A_54 = arith.constant 16 : i32
        %mul3A_55 = arith.muli %scan3A_52, %mul3A_54 : i32
        %get3A = arith.index_cast %mul3A_55 : i32 to index
        %get3A_56 = tpu.vector_load %arg9[%get3A] {strides = array<i32>} : memref<4096xi32, #tpu.memory_space<vmem>>, vector<16xi32>,
        %gt3A = arith.cmpi ugt, %get3A_56, %add3A_27 : vector<16xi32>
        %all_reduce_population_count3A = tpu.all_reduce %gt3A {dim = 0 : i64, kind = #tpu.reduction_kind<sum>} : vector<16xi1> -> vector<16xi32>
        %add3A_57 = arith.addi %scan3A_53, %all_reduce_population_count3A : vector<16xi32>
        %scan3A_58 = arith.constant 1 : i32
        %scan3A_59 = arith.addi %scan3A_52, %scan3A_58 : i32
        %mul3A_60 = arith.constant 16 : i32
        %mul3A_61 = arith.muli %scan3A_59, %mul3A_60 : i32
        %get3A_62 = arith.index_cast %mul3A_61 : i32 to index
        %get3A_63 = tpu.vector_load %arg9[%get3A_62] {strides = array<i32>} : memref<4096xi32, #tpu.memory_space<vmem>>, vector<16xi32>,
        %gt3A_64 = arith.cmpi ugt, %get3A_63, %add3A_27 : vector<16xi32>
        %all_reduce_population_count3A_65 = tpu.all_reduce %gt3A_64 {dim = 0 : i64, kind = #tpu.reduction_kind<sum>} : vector<16xi1> -> vector<16xi32>
        %add3A_66 = arith.addi %add3A_57, %all_reduce_population_count3A_65 : vector<16xi32>
        %scan3A_67 = arith.constant 2 : i32
        %scan3A_68 = arith.addi %scan3A_52, %scan3A_67 : i32
        %mul3A_69 = arith.constant 16 : i32
        %mul3A_70 = arith.muli %scan3A_68, %mul3A_69 : i32
        %get3A_71 = arith.index_cast %mul3A_70 : i32 to index
        %get3A_72 = tpu.vector_load %arg9[%get3A_71] {strides = array<i32>} : memref<4096xi32, #tpu.memory_space<vmem>>, vector<16xi32>,
        %gt3A_73 = arith.cmpi ugt, %get3A_72, %add3A_27 : vector<16xi32>
        %all_reduce_population_count3A_74 = tpu.all_reduce %gt3A_73 {dim = 0 : i64, kind = #tpu.reduction_kind<sum>} : vector<16xi1> -> vector<16xi32>
        %add3A_75 = arith.addi %add3A_66, %all_reduce_population_count3A_74 : vector<16xi32>
        %scan3A_76 = arith.constant 3 : i32
        %scan3A_77 = arith.addi %scan3A_52, %scan3A_76 : i32
        %mul3A_78 = arith.constant 16 : i32
        %mul3A_79 = arith.muli %scan3A_77, %mul3A_78 : i32
        %get3A_80 = arith.index_cast %mul3A_79 : i32 to index
        %get3A_81 = tpu.vector_load %arg9[%get3A_80] {strides = array<i32>} : memref<4096xi32, #tpu.memory_space<vmem>>, vector<16xi32>,
        %gt3A_82 = arith.cmpi ugt, %get3A_81, %add3A_27 : vector<16xi32>
        %all_reduce_population_count3A_83 = tpu.all_reduce %gt3A_82 {dim = 0 : i64, kind = #tpu.reduction_kind<sum>} : vector<16xi1> -> vector<16xi32>
        %add3A_84 = arith.addi %add3A_75, %all_reduce_population_count3A_83 : vector<16xi32>
        scf.yield %add3A_84 : vector<16xi32>
      }
      %scan3A_35 = arith.constant 256 : i32
      %sub3A = arith.subi %broadcast_in_dim3A_16, %scan3A_34 : vector<16xi32>
      %mul3A_36 = arith.constant 4096 : i32
      %mul3A_37 = arith.muli %arg1, %mul3A_36 : i32
      %iota3A = tpu.iota {dimensions = array<i32: 0>} : vector<16xi32>
      %broadcast_in_dim3A_38 = arith.constant 0 : i32
      %broadcast_in_dim3A_39 = vector.broadcast %broadcast_in_dim3A_38 : i32 to vector<16xi32>
      %scan3A_40 = arith.constant 0 : i32
      %scan3A_41 = arith.constant 256 : i32
      %scan3A_42 = arith.addi %scan3A_40, %scan3A_41 : i32
      %scan3A_43 = arith.constant 2 : i32
      %scan3A_44:2 = scf.for %scan3A_52 = %scan3A_40 to %scan3A_42 step %scan3A_43 iter_args(%scan3A_53 = %broadcast_in_dim3A_39, %scan3A_54 = %broadcast_in_dim3A_39) -> (vector<16xi32>, vector<16xi32>)  : i32 {
        %mul3A_55 = arith.constant 16 : i32
        %mul3A_56 = arith.muli %scan3A_52, %mul3A_55 : i32
        %get3A = arith.index_cast %mul3A_56 : i32 to index
        %get3A_57 = tpu.vector_load %arg9[%get3A] {strides = array<i32>} : memref<4096xi32, #tpu.memory_space<vmem>>, vector<16xi32>,
        %mul3A_58 = arith.constant 16 : i32
        %mul3A_59 = arith.muli %scan3A_52, %mul3A_58 : i32
        %get3A_60 = arith.index_cast %mul3A_59 : i32 to index
        %get3A_61 = tpu.vector_load %arg8[%get3A_60] {strides = array<i32>} : memref<4096xf32, #tpu.memory_space<vmem>>, vector<16xf32>,
        %gt3A = arith.cmpi ugt, %get3A_57, %add3A_27 : vector<16xi32>
        %eq3A = arith.cmpi eq, %get3A_57, %add3A_27 : vector<16xi32>
        %convert_element_type3A_62 = arith.extui %eq3A : vector<16xi1> to vector<16xi32>
        %broadcast_in_dim3A_63 = arith.constant true
        %broadcast_in_dim3A_64 = vector.broadcast %broadcast_in_dim3A_63 : i1 to vector<16xi1>
        %masked_cumsum3A = tpu.scan <sum>, %convert_element_type3A_62 masked %broadcast_in_dim3A_64 : vector<16xi32>, vector<16xi1> -> vector<16xi32>
        %add3A_65 = arith.addi %scan3A_54, %masked_cumsum3A : vector<16xi32>
        %le3A = arith.cmpi sle, %add3A_65, %sub3A : vector<16xi32>
        %and3A = arith.andi %eq3A, %le3A : vector<16xi1>
        %or3A = arith.ori %gt3A, %and3A : vector<16xi1>
        %convert_element_type3A_66 = arith.extui %or3A : vector<16xi1> to vector<16xi32>
        %broadcast_in_dim3A_67 = arith.constant true
        %broadcast_in_dim3A_68 = vector.broadcast %broadcast_in_dim3A_67 : i1 to vector<16xi1>
        %masked_cumsum3A_69 = tpu.scan <sum>, %convert_element_type3A_66 masked %broadcast_in_dim3A_68 : vector<16xi32>, vector<16xi1> -> vector<16xi32>
        %add3A_70 = arith.addi %scan3A_53, %masked_cumsum3A_69 : vector<16xi32>
        %sub3A_71 = arith.constant 1 : i32
        %sub3A_72 = vector.broadcast %sub3A_71 : i32 to vector<16xi32>
        %sub3A_73 = arith.subi %add3A_70, %sub3A_72 : vector<16xi32>
        %mul3A_74 = arith.constant 16 : i32
        %mul3A_75 = arith.muli %scan3A_52, %mul3A_74 : i32
        %add3A_76 = arith.addi %mul3A_37, %mul3A_75 : i32
        %add3A_77 = vector.broadcast %add3A_76 : i32 to vector<16xi32>
        %add3A_78 = arith.addi %add3A_77, %iota3A : vector<16xi32>
        tpu.vector_store_idx %arg10[%sub3A_73], %add3A_78 masked %or3A : memref<1024xi32, #tpu.memory_space<vmem>>[vector<16xi32>], vector<16xi32>, vector<16xi1>
        tpu.vector_store_idx %arg11[%sub3A_73], %get3A_61 masked %or3A : memref<1024xf32, #tpu.memory_space<vmem>>[vector<16xi32>], vector<16xf32>, vector<16xi1>
        %jit3A = arith.constant 1.000000e+00 : f32
        %jit3A_79 = arith.constant 0.000000e+00 : f32
        %broadcast_in_dim3A_80 = vector.broadcast %jit3A : f32 to vector<16xf32>
        %broadcast_in_dim3A_81 = vector.broadcast %jit3A_79 : f32 to vector<16xf32>
        %select_n3A = arith.select %or3A, %broadcast_in_dim3A_80, %broadcast_in_dim3A_81 : vector<16xi1>, vector<16xf32>
        %mul3A_82 = arith.constant 16 : i32
        %mul3A_83 = arith.muli %scan3A_52, %mul3A_82 : i32
        %swap3A = arith.index_cast %mul3A_83 : i32 to index
        %swap3A_84 = tpu.vector_load %arg12[%swap3A] {strides = array<i32>} : memref<4096xf32, #tpu.memory_space<vmem>>, vector<16xf32>,
        tpu.vector_store %arg12[%swap3A], %select_n3A {strides = array<i32>} : memref<4096xf32, #tpu.memory_space<vmem>>, vector<16xf32>,
        %all_reduce_population_count3A = tpu.all_reduce %or3A {dim = 0 : i64, kind = #tpu.reduction_kind<sum>} : vector<16xi1> -> vector<16xi32>
        %add3A_85 = arith.addi %scan3A_53, %all_reduce_population_count3A : vector<16xi32>
        %all_reduce_population_count3A_86 = tpu.all_reduce %eq3A {dim = 0 : i64, kind = #tpu.reduction_kind<sum>} : vector<16xi1> -> vector<16xi32>
        %add3A_87 = arith.addi %scan3A_54, %all_reduce_population_count3A_86 : vector<16xi32>
        %scan3A_88 = arith.constant 1 : i32
        %scan3A_89 = arith.addi %scan3A_52, %scan3A_88 : i32
        %mul3A_90 = arith.constant 16 : i32
        %mul3A_91 = arith.muli %scan3A_89, %mul3A_90 : i32
        %get3A_92 = arith.index_cast %mul3A_91 : i32 to index
        %get3A_93 = tpu.vector_load %arg9[%get3A_92] {strides = array<i32>} : memref<4096xi32, #tpu.memory_space<vmem>>, vector<16xi32>,
        %mul3A_94 = arith.constant 16 : i32
        %mul3A_95 = arith.muli %scan3A_89, %mul3A_94 : i32
        %get3A_96 = arith.index_cast %mul3A_95 : i32 to index
        %get3A_97 = tpu.vector_load %arg8[%get3A_96] {strides = array<i32>} : memref<4096xf32, #tpu.memory_space<vmem>>, vector<16xf32>,
        %gt3A_98 = arith.cmpi ugt, %get3A_93, %add3A_27 : vector<16xi32>
        %eq3A_99 = arith.cmpi eq, %get3A_93, %add3A_27 : vector<16xi32>
        %convert_element_type3A_100 = arith.extui %eq3A_99 : vector<16xi1> to vector<16xi32>
        %broadcast_in_dim3A_101 = arith.constant true
        %broadcast_in_dim3A_102 = vector.broadcast %broadcast_in_dim3A_101 : i1 to vector<16xi1>
        %masked_cumsum3A_103 = tpu.scan <sum>, %convert_element_type3A_100 masked %broadcast_in_dim3A_102 : vector<16xi32>, vector<16xi1> -> vector<16xi32>
        %add3A_104 = arith.addi %add3A_87, %masked_cumsum3A_103 : vector<16xi32>
        %le3A_105 = arith.cmpi sle, %add3A_104, %sub3A : vector<16xi32>
        %and3A_106 = arith.andi %eq3A_99, %le3A_105 : vector<16xi1>
        %or3A_107 = arith.ori %gt3A_98, %and3A_106 : vector<16xi1>
        %convert_element_type3A_108 = arith.extui %or3A_107 : vector<16xi1> to vector<16xi32>
        %broadcast_in_dim3A_109 = arith.constant true
        %broadcast_in_dim3A_110 = vector.broadcast %broadcast_in_dim3A_109 : i1 to vector<16xi1>
        %masked_cumsum3A_111 = tpu.scan <sum>, %convert_element_type3A_108 masked %broadcast_in_dim3A_110 : vector<16xi32>, vector<16xi1> -> vector<16xi32>
        %add3A_112 = arith.addi %add3A_85, %masked_cumsum3A_111 : vector<16xi32>
        %sub3A_113 = arith.constant 1 : i32
        %sub3A_114 = vector.broadcast %sub3A_113 : i32 to vector<16xi32>
        %sub3A_115 = arith.subi %add3A_112, %sub3A_114 : vector<16xi32>
        %mul3A_116 = arith.constant 16 : i32
        %mul3A_117 = arith.muli %scan3A_89, %mul3A_116 : i32
        %add3A_118 = arith.addi %mul3A_37, %mul3A_117 : i32
        %add3A_119 = vector.broadcast %add3A_118 : i32 to vector<16xi32>
        %add3A_120 = arith.addi %add3A_119, %iota3A : vector<16xi32>
        tpu.vector_store_idx %arg10[%sub3A_115], %add3A_120 masked %or3A_107 : memref<1024xi32, #tpu.memory_space<vmem>>[vector<16xi32>], vector<16xi32>, vector<16xi1>
        tpu.vector_store_idx %arg11[%sub3A_115], %get3A_97 masked %or3A_107 : memref<1024xf32, #tpu.memory_space<vmem>>[vector<16xi32>], vector<16xf32>, vector<16xi1>
        %jit3A_121 = arith.constant 1.000000e+00 : f32
        %jit3A_122 = arith.constant 0.000000e+00 : f32
        %broadcast_in_dim3A_123 = vector.broadcast %jit3A_121 : f32 to vector<16xf32>
        %broadcast_in_dim3A_124 = vector.broadcast %jit3A_122 : f32 to vector<16xf32>
        %select_n3A_125 = arith.select %or3A_107, %broadcast_in_dim3A_123, %broadcast_in_dim3A_124 : vector<16xi1>, vector<16xf32>
        %mul3A_126 = arith.constant 16 : i32
        %mul3A_127 = arith.muli %scan3A_89, %mul3A_126 : i32
        %swap3A_128 = arith.index_cast %mul3A_127 : i32 to index
        %swap3A_129 = tpu.vector_load %arg12[%swap3A_128] {strides = array<i32>} : memref<4096xf32, #tpu.memory_space<vmem>>, vector<16xf32>,
        tpu.vector_store %arg12[%swap3A_128], %select_n3A_125 {strides = array<i32>} : memref<4096xf32, #tpu.memory_space<vmem>>, vector<16xf32>,
        %all_reduce_population_count3A_130 = tpu.all_reduce %or3A_107 {dim = 0 : i64, kind = #tpu.reduction_kind<sum>} : vector<16xi1> -> vector<16xi32>
        %add3A_131 = arith.addi %add3A_85, %all_reduce_population_count3A_130 : vector<16xi32>
        %all_reduce_population_count3A_132 = tpu.all_reduce %eq3A_99 {dim = 0 : i64, kind = #tpu.reduction_kind<sum>} : vector<16xi1> -> vector<16xi32>
        %add3A_133 = arith.addi %add3A_87, %all_reduce_population_count3A_132 : vector<16xi32>
        scf.yield %add3A_131, %add3A_133 : vector<16xi32>, vector<16xi32>
      }
      %scan3A_45 = arith.constant 256 : i32
      %mul3A_46 = arith.constant 1024 : i32
      %mul3A_47 = arith.muli %arg1, %mul3A_46 : i32
      "tpu.region"() ({
        %run_scoped3A = tpu.sem_alloc : memref<!tpu.dma_semaphore, #tpu.memory_space<semaphore_mem>>
        %dma_start3A = tpu.memref_slice %arg4[%mul3A_47] : memref<4096xi32, #tpu.memory_space<hbm>> -> memref<1024xi32, #tpu.memory_space<hbm>>
        %dma_start3A_52 = tpu.memref_slice %arg4[%mul3A_47] : memref<4096xi32, #tpu.memory_space<hbm>> -> memref<1024xi32, #tpu.memory_space<hbm>>
        tpu.enqueue_dma source(%arg10 : memref<1024xi32, #tpu.memory_space<vmem>>) target(%dma_start3A_52 : memref<1024xi32, #tpu.memory_space<hbm>>) target_semaphore(%run_scoped3A : memref<!tpu.dma_semaphore, #tpu.memory_space<semaphore_mem>>)
        %dma_wait3A = tpu.memref_slice %arg4[%mul3A_47] : memref<4096xi32, #tpu.memory_space<hbm>> -> memref<1024xi32, #tpu.memory_space<hbm>>
        %dma_wait3A_53 = tpu.memref_slice %arg4[%mul3A_47] : memref<4096xi32, #tpu.memory_space<hbm>> -> memref<1024xi32, #tpu.memory_space<hbm>>
        tpu.wait_dma2 semaphore(%run_scoped3A : memref<!tpu.dma_semaphore, #tpu.memory_space<semaphore_mem>>) src(%arg10 : memref<1024xi32, #tpu.memory_space<vmem>>) dst(%dma_wait3A_53 : memref<1024xi32, #tpu.memory_space<hbm>>)
        tpu.yield
      }) : () -> ()
      %mul3A_48 = arith.constant 1024 : i32
      %mul3A_49 = arith.muli %arg1, %mul3A_48 : i32
      "tpu.region"() ({
        %run_scoped3A = tpu.sem_alloc : memref<!tpu.dma_semaphore, #tpu.memory_space<semaphore_mem>>
        %dma_start3A = tpu.memref_slice %arg5[%mul3A_49] : memref<4096xf32, #tpu.memory_space<hbm>> -> memref<1024xf32, #tpu.memory_space<hbm>>
        %dma_start3A_52 = tpu.memref_slice %arg5[%mul3A_49] : memref<4096xf32, #tpu.memory_space<hbm>> -> memref<1024xf32, #tpu.memory_space<hbm>>
        tpu.enqueue_dma source(%arg11 : memref<1024xf32, #tpu.memory_space<vmem>>) target(%dma_start3A_52 : memref<1024xf32, #tpu.memory_space<hbm>>) target_semaphore(%run_scoped3A : memref<!tpu.dma_semaphore, #tpu.memory_space<semaphore_mem>>)
        %dma_wait3A = tpu.memref_slice %arg5[%mul3A_49] : memref<4096xf32, #tpu.memory_space<hbm>> -> memref<1024xf32, #tpu.memory_space<hbm>>
        %dma_wait3A_53 = tpu.memref_slice %arg5[%mul3A_49] : memref<4096xf32, #tpu.memory_space<hbm>> -> memref<1024xf32, #tpu.memory_space<hbm>>
        tpu.wait_dma2 semaphore(%run_scoped3A : memref<!tpu.dma_semaphore, #tpu.memory_space<semaphore_mem>>) src(%arg11 : memref<1024xf32, #tpu.memory_space<vmem>>) dst(%dma_wait3A_53 : memref<1024xf32, #tpu.memory_space<hbm>>)
        tpu.yield
      }) : () -> ()
      %mul3A_50 = arith.constant 4096 : i32
      %mul3A_51 = arith.muli %arg1, %mul3A_50 : i32
      "tpu.region"() ({
        %run_scoped3A = tpu.sem_alloc : memref<!tpu.dma_semaphore, #tpu.memory_space<semaphore_mem>>
        %dma_start3A = tpu.memref_slice %arg6[%mul3A_51] : memref<16384xf32, #tpu.memory_space<hbm>> -> memref<4096xf32, #tpu.memory_space<hbm>>
        %dma_start3A_52 = tpu.memref_slice %arg6[%mul3A_51] : memref<16384xf32, #tpu.memory_space<hbm>> -> memref<4096xf32, #tpu.memory_space<hbm>>
        tpu.enqueue_dma source(%arg12 : memref<4096xf32, #tpu.memory_space<vmem>>) target(%dma_start3A_52 : memref<4096xf32, #tpu.memory_space<hbm>>) target_semaphore(%run_scoped3A : memref<!tpu.dma_semaphore, #tpu.memory_space<semaphore_mem>>)
        %dma_wait3A = tpu.memref_slice %arg6[%mul3A_51] : memref<16384xf32, #tpu.memory_space<hbm>> -> memref<4096xf32, #tpu.memory_space<hbm>>
        %dma_wait3A_53 = tpu.memref_slice %arg6[%mul3A_51] : memref<16384xf32, #tpu.memory_space<hbm>> -> memref<4096xf32, #tpu.memory_space<hbm>>
        tpu.wait_dma2 semaphore(%run_scoped3A : memref<!tpu.dma_semaphore, #tpu.memory_space<semaphore_mem>>) src(%arg12 : memref<4096xf32, #tpu.memory_space<vmem>>) dst(%dma_wait3A_53 : memref<4096xf32, #tpu.memory_space<hbm>>)
        tpu.yield
      }) : () -> ()
    } else {
    }
    %barrier3A = arith.constant 0 : index
    tpu.barrier barrier_id(%barrier3A)
    %mul3A_3 = arith.constant 128 : i32
    %mul3A_4 = arith.muli %add3A, %mul3A_3 : i32
    %scan3A = arith.constant 0 : i32
    %scan3A_5 = arith.constant 0 : i32
    %scan3A_6 = arith.constant 4 : i32
    %scan3A_7 = arith.addi %scan3A_5, %scan3A_6 : i32
    %scan3A_8 = arith.constant 1 : i32
    scf.for %scan3A_10 = %scan3A_5 to %scan3A_7 step %scan3A_8  : i32 {
      %mul3A_11 = arith.constant 32 : i32
      %mul3A_12 = arith.muli %scan3A_10, %mul3A_11 : i32
      %add3A_13 = arith.addi %mul3A_4, %mul3A_12 : i32
      "tpu.region"() ({
        %run_scoped3A = tpu.sem_alloc : memref<!tpu.dma_semaphore, #tpu.memory_space<semaphore_mem>>
        %dma_start3A_18 = tpu.memref_slice %arg4[%add3A_13] : memref<4096xi32, #tpu.memory_space<hbm>> -> memref<32xi32, #tpu.memory_space<hbm>>
        %dma_start3A_19 = tpu.memref_slice %arg4[%add3A_13] : memref<4096xi32, #tpu.memory_space<hbm>> -> memref<32xi32, #tpu.memory_space<hbm>>
        tpu.enqueue_dma source(%dma_start3A_19 : memref<32xi32, #tpu.memory_space<hbm>>) target(%arg13 : memref<32xi32, #tpu.memory_space<vmem>>) target_semaphore(%run_scoped3A : memref<!tpu.dma_semaphore, #tpu.memory_space<semaphore_mem>>)
        %dma_wait3A_20 = tpu.memref_slice %arg4[%add3A_13] : memref<4096xi32, #tpu.memory_space<hbm>> -> memref<32xi32, #tpu.memory_space<hbm>>
        %dma_wait3A_21 = tpu.memref_slice %arg4[%add3A_13] : memref<4096xi32, #tpu.memory_space<hbm>> -> memref<32xi32, #tpu.memory_space<hbm>>
        tpu.wait_dma2 semaphore(%run_scoped3A : memref<!tpu.dma_semaphore, #tpu.memory_space<semaphore_mem>>) src(%dma_wait3A_21 : memref<32xi32, #tpu.memory_space<hbm>>) dst(%arg13 : memref<32xi32, #tpu.memory_space<vmem>>)
        tpu.yield
      }) : () -> ()
      %dma_start3A = arith.constant 0 : i32
      %dma_start3A_14 = arith.constant 0 : i32
      %dma_start3A_15 = tpu.memref_slice %arg3[%dma_start3A, %dma_start3A_14] : memref<16384x2048xf32, #tpu.memory_space<hbm>> -> memref<16384x2048xf32, #tpu.memory_space<hbm>>
      tpu.enqueue_indirect_dma source(%dma_start3A_15 : memref<16384x2048xf32, #tpu.memory_space<hbm>>) target(%arg14 : memref<32x2048xf32, #tpu.memory_space<vmem>>) offsets(%arg13 : memref<32xi32, #tpu.memory_space<vmem>>) semaphore(%arg15 : memref<!tpu.dma_semaphore, #tpu.memory_space<semaphore_mem>>)
      %dma_wait3A = arith.constant 0 : i32
      %dma_wait3A_16 = arith.constant 0 : i32
      %dma_wait3A_17 = tpu.memref_slice %arg3[%dma_wait3A, %dma_wait3A_16] : memref<16384x2048xf32, #tpu.memory_space<hbm>> -> memref<16384x2048xf32, #tpu.memory_space<hbm>>
      tpu.wait_indirect_dma semaphore(%arg15 : memref<!tpu.dma_semaphore, #tpu.memory_space<semaphore_mem>>) src(%dma_wait3A_17 : memref<16384x2048xf32, #tpu.memory_space<hbm>>) dst(%arg14 : memref<32x2048xf32, #tpu.memory_space<vmem>>)
      "tpu.region"() ({
        %run_scoped3A = tpu.sem_alloc : memref<!tpu.dma_semaphore, #tpu.memory_space<semaphore_mem>>
        %dma_start3A_18 = arith.constant 0 : i32
        %dma_start3A_19 = tpu.memref_slice %arg7[%add3A_13, %dma_start3A_18] : memref<4096x2048xf32, #tpu.memory_space<hbm>> -> memref<32x2048xf32, #tpu.memory_space<hbm>>
        %dma_start3A_20 = arith.constant 0 : i32
        %dma_start3A_21 = tpu.memref_slice %arg7[%add3A_13, %dma_start3A_20] : memref<4096x2048xf32, #tpu.memory_space<hbm>> -> memref<32x2048xf32, #tpu.memory_space<hbm>>
        tpu.enqueue_dma source(%arg14 : memref<32x2048xf32, #tpu.memory_space<vmem>>) target(%dma_start3A_21 : memref<32x2048xf32, #tpu.memory_space<hbm>>) target_semaphore(%run_scoped3A : memref<!tpu.dma_semaphore, #tpu.memory_space<semaphore_mem>>)
        %dma_wait3A_22 = arith.constant 0 : i32
        %dma_wait3A_23 = tpu.memref_slice %arg7[%add3A_13, %dma_wait3A_22] : memref<4096x2048xf32, #tpu.memory_space<hbm>> -> memref<32x2048xf32, #tpu.memory_space<hbm>>
        %dma_wait3A_24 = arith.constant 0 : i32
        %dma_wait3A_25 = tpu.memref_slice %arg7[%add3A_13, %dma_wait3A_24] : memref<4096x2048xf32, #tpu.memory_space<hbm>> -> memref<32x2048xf32, #tpu.memory_space<hbm>>
        tpu.wait_dma2 semaphore(%run_scoped3A : memref<!tpu.dma_semaphore, #tpu.memory_space<semaphore_mem>>) src(%arg14 : memref<32x2048xf32, #tpu.memory_space<vmem>>) dst(%dma_wait3A_25 : memref<32x2048xf32, #tpu.memory_space<hbm>>)
        tpu.yield
      }) : () -> ()
    }
    %scan3A_9 = arith.constant 4 : i32
    return
  }
}

module attributes {stable_mosaic.version = 14 : i64} {
  func.func @_mlp_body(%arg0: i32, %arg1: i32, %arg2: memref<1024x1xf32, #tpu.memory_space<vmem>>, %arg3: memref<1024x2048xbf16, #tpu.memory_space<vmem>>, %arg4: memref<2048x512xf32, #tpu.memory_space<vmem>>, %arg5: memref<1x512xf32, #tpu.memory_space<vmem>>, %arg6: memref<512x2048xf32, #tpu.memory_space<vmem>>, %arg7: memref<1x2048xf32, #tpu.memory_space<vmem>>, %arg8: memref<1024x2048xf32, #tpu.memory_space<vmem>>) attributes {dimension_semantics = [#tpu.dimension_semantics<arbitrary>, #tpu.dimension_semantics<arbitrary>], iteration_bounds = array<i64: 4, 16>, scalar_prefetch = 0 : i64, scratch_operands = 0 : i64, tpu.core_type = #tpu.core_type<tc>, window_params = [{transform_indices = @transform_0, window_bounds = array<i64: 1024, 1>}, {transform_indices = @transform_1, window_bounds = array<i64: 1024, 2048>}, {transform_indices = @transform_2, window_bounds = array<i64: 2048, 512>}, {transform_indices = @transform_3, window_bounds = array<i64: 1, 512>}, {transform_indices = @transform_4, window_bounds = array<i64: 512, 2048>}, {pipeline_mode = #tpu.pipeline_mode<synchronous>, transform_indices = @transform_5, window_bounds = array<i64: 1, 2048>}, {transform_indices = @transform_6, window_bounds = array<i64: 1024, 2048>}]} {
    %eq3A = arith.constant 0 : i32
    %eq3A_0 = arith.cmpi eq, %arg1, %eq3A : i32
    %convert_element_type3A = arith.extui %eq3A_0 : i1 to i32
    %cond3A = arith.constant 0 : i32
    %cond3A_1 = arith.cmpi ne, %convert_element_type3A, %cond3A : i32
    scf.if %cond3A_1 {
      %broadcast_in_dim3A = arith.constant 0.000000e+00 : f32
      %broadcast_in_dim3A_36 = vector.broadcast %broadcast_in_dim3A : f32 to vector<1024x2048xf32>
      %swap3A_37 = arith.constant 0 : index
      %swap3A_38 = arith.constant 0 : index
      %swap3A_39 = vector.load %arg8[%swap3A_37, %swap3A_38] : memref<1024x2048xf32, #tpu.memory_space<vmem>>, vector<1024x2048xf32>
      tpu.vector_store %arg8[%swap3A_37, %swap3A_38], %broadcast_in_dim3A_36 {strides = array<i32>} : memref<1024x2048xf32, #tpu.memory_space<vmem>>, vector<1024x2048xf32>,
    } else {
    }
    %get3A = arith.constant 0 : index
    %get3A_2 = arith.constant 0 : index
    %get3A_3 = vector.load %arg3[%get3A, %get3A_2] : memref<1024x2048xbf16, #tpu.memory_space<vmem>>, vector<1024x2048xbf16>
    %get3A_4 = arith.constant 0 : index
    %get3A_5 = arith.constant 0 : index
    %get3A_6 = vector.load %arg4[%get3A_4, %get3A_5] : memref<2048x512xf32, #tpu.memory_space<vmem>>, vector<2048x512xf32>
    %convert_element_type3A_7 = arith.truncf %get3A_6 : vector<2048x512xf32> to vector<2048x512xbf16>
    %dot_general3A = arith.constant dense<0.000000e+00> : vector<1024x512xf32>
    %dot_general3A_8 = tpu.matmul %get3A_3, %convert_element_type3A_7, %dot_general3A {dimension_numbers = #tpu.dot_dimension_numbers<[1], [0], [0], [1], [0, 0, 1, 1], [], []>, transpose_lhs_hint = false} : vector<1024x2048xbf16>, vector<2048x512xbf16>, vector<1024x512xf32> -> vector<1024x512xf32>
    %get3A_9 = arith.constant 0 : index
    %get3A_10 = arith.constant 0 : index
    %get3A_11 = vector.load %arg5[%get3A_9, %get3A_10] : memref<1x512xf32, #tpu.memory_space<vmem>>, vector<1x512xf32>
    %add3A = vector.broadcast %get3A_11 : vector<1x512xf32> to vector<1024x512xf32>
    %add3A_12 = arith.addf %dot_general3A_8, %add3A : vector<1024x512xf32>
    %neg3A = arith.constant 0.000000e+00 : f32
    %neg3A_13 = vector.broadcast %neg3A : f32 to vector<1024x512xf32>
    %neg3A_14 = arith.subf %neg3A_13, %add3A_12 : vector<1024x512xf32>
    %exp3A = math.exp %neg3A_14 : vector<1024x512xf32>
    %add3A_15 = arith.constant 1.000000e+00 : f32
    %add3A_16 = vector.broadcast %add3A_15 : f32 to vector<1024x512xf32>
    %add3A_17 = arith.addf %add3A_16, %exp3A : vector<1024x512xf32>
    %div3A = arith.divf %add3A_12, %add3A_17 : vector<1024x512xf32>
    %convert_element_type3A_18 = arith.truncf %div3A : vector<1024x512xf32> to vector<1024x512xbf16>
    %get3A_19 = arith.constant 0 : index
    %get3A_20 = arith.constant 0 : index
    %get3A_21 = vector.load %arg6[%get3A_19, %get3A_20] : memref<512x2048xf32, #tpu.memory_space<vmem>>, vector<512x2048xf32>
    %convert_element_type3A_22 = arith.truncf %get3A_21 : vector<512x2048xf32> to vector<512x2048xbf16>
    %get3A_23 = arith.constant 0 : index
    %get3A_24 = arith.constant 0 : index
    %get3A_25 = vector.load %arg8[%get3A_23, %get3A_24] : memref<1024x2048xf32, #tpu.memory_space<vmem>>, vector<1024x2048xf32>
    %dot_general3A_26 = arith.constant dense<0.000000e+00> : vector<1024x2048xf32>
    %dot_general3A_27 = tpu.matmul %convert_element_type3A_18, %convert_element_type3A_22, %dot_general3A_26 {dimension_numbers = #tpu.dot_dimension_numbers<[1], [0], [0], [1], [0, 0, 1, 1], [], []>, transpose_lhs_hint = false} : vector<1024x512xbf16>, vector<512x2048xbf16>, vector<1024x2048xf32> -> vector<1024x2048xf32>
    %add3A_28 = arith.addf %get3A_25, %dot_general3A_27 : vector<1024x2048xf32>
    %swap3A = arith.constant 0 : index
    %swap3A_29 = arith.constant 0 : index
    %swap3A_30 = vector.load %arg8[%swap3A, %swap3A_29] : memref<1024x2048xf32, #tpu.memory_space<vmem>>, vector<1024x2048xf32>
    tpu.vector_store %arg8[%swap3A, %swap3A_29], %add3A_28 {strides = array<i32>} : memref<1024x2048xf32, #tpu.memory_space<vmem>>, vector<1024x2048xf32>,
    %eq3A_31 = arith.constant 15 : i32
    %eq3A_32 = arith.cmpi eq, %arg1, %eq3A_31 : i32
    %convert_element_type3A_33 = arith.extui %eq3A_32 : i1 to i32
    %cond3A_34 = arith.constant 0 : i32
    %cond3A_35 = arith.cmpi ne, %convert_element_type3A_33, %cond3A_34 : i32
    scf.if %cond3A_35 {
      %get3A_36 = arith.constant 0 : index
      %get3A_37 = arith.constant 0 : index
      %get3A_38 = vector.load %arg8[%get3A_36, %get3A_37] : memref<1024x2048xf32, #tpu.memory_space<vmem>>, vector<1024x2048xf32>
      %get3A_39 = arith.constant 0 : index
      %get3A_40 = arith.constant 0 : index
      %get3A_41 = vector.load %arg7[%get3A_39, %get3A_40] : memref<1x2048xf32, #tpu.memory_space<vmem>>, vector<1x2048xf32>
      %add3A_42 = vector.broadcast %get3A_41 : vector<1x2048xf32> to vector<1024x2048xf32>
      %add3A_43 = arith.addf %get3A_38, %add3A_42 : vector<1024x2048xf32>
      %get3A_44 = arith.constant 0 : index
      %get3A_45 = arith.constant 0 : index
      %get3A_46 = vector.load %arg2[%get3A_44, %get3A_45] : memref<1024x1xf32, #tpu.memory_space<vmem>>, vector<1024x1xf32>
      %mul3A = vector.broadcast %get3A_46 : vector<1024x1xf32> to vector<1024x2048xf32>
      %mul3A_47 = arith.mulf %add3A_43, %mul3A : vector<1024x2048xf32>
      %swap3A_48 = arith.constant 0 : index
      %swap3A_49 = arith.constant 0 : index
      %swap3A_50 = vector.load %arg8[%swap3A_48, %swap3A_49] : memref<1024x2048xf32, #tpu.memory_space<vmem>>, vector<1024x2048xf32>
      tpu.vector_store %arg8[%swap3A_48, %swap3A_49], %mul3A_47 {strides = array<i32>} : memref<1024x2048xf32, #tpu.memory_space<vmem>>, vector<1024x2048xf32>,
    } else {
    }
    return
  }
  func.func @transform_0(%arg0: i32, %arg1: i32) -> (i32, i32) {
    %c0_i32 = arith.constant 0 : i32
    %c0_i32_0 = arith.constant 0 : i32
    return %arg0, %c0_i32 : i32, i32
  }
  func.func @transform_1(%arg0: i32, %arg1: i32) -> (i32, i32) {
    %c0_i32 = arith.constant 0 : i32
    %c0_i32_0 = arith.constant 0 : i32
    return %arg0, %c0_i32 : i32, i32
  }
  func.func @transform_2(%arg0: i32, %arg1: i32) -> (i32, i32) {
    %c0_i32 = arith.constant 0 : i32
    %c0_i32_0 = arith.constant 0 : i32
    return %c0_i32, %arg1 : i32, i32
  }
  func.func @transform_3(%arg0: i32, %arg1: i32) -> (i32, i32) {
    %c0_i32 = arith.constant 0 : i32
    %c0_i32_0 = arith.constant 0 : i32
    return %c0_i32, %arg1 : i32, i32
  }
  func.func @transform_4(%arg0: i32, %arg1: i32) -> (i32, i32) {
    %c0_i32 = arith.constant 0 : i32
    %c0_i32_0 = arith.constant 0 : i32
    return %arg1, %c0_i32 : i32, i32
  }
  func.func @transform_5(%arg0: i32, %arg1: i32) -> (i32, i32) {
    %c0_i32 = arith.constant 0 : i32
    %c0_i32_0 = arith.constant 0 : i32
    %c0_i32_1 = arith.constant 0 : i32
    return %c0_i32, %c0_i32_0 : i32, i32
  }
  func.func @transform_6(%arg0: i32, %arg1: i32) -> (i32, i32) {
    %c0_i32 = arith.constant 0 : i32
    %c0_i32_0 = arith.constant 0 : i32
    return %arg0, %c0_i32 : i32, i32
  }
}

module attributes {stable_mosaic.version = 14 : i64} {
  func.func @_merge_aux_body(%arg0: i32, %arg1: memref<1024x2048xf32, #tpu.memory_space<vmem>>, %arg2: memref<1024x2048xf32, #tpu.memory_space<vmem>>, %arg3: memref<1024x1xf32, #tpu.memory_space<vmem>>, %arg4: memref<2048x1024xf32, #tpu.memory_space<vmem>>, %arg5: memref<1x1024xf32, #tpu.memory_space<vmem>>, %arg6: memref<1x1024xf32, #tpu.memory_space<vmem>>, %arg7: memref<1x1xf32, #tpu.memory_space<smem>>, %arg8: memref<1024x2048xf32, #tpu.memory_space<vmem>>, %arg9: memref<1x1xf32, #tpu.memory_space<smem>>) attributes {dimension_semantics = [#tpu.dimension_semantics<arbitrary>], iteration_bounds = array<i64: 16>, scalar_prefetch = 0 : i64, scratch_operands = 0 : i64, tpu.core_type = #tpu.core_type<tc>, window_params = [{transform_indices = @transform_0, window_bounds = array<i64: 1024, 2048>}, {transform_indices = @transform_1, window_bounds = array<i64: 1024, 2048>}, {transform_indices = @transform_2, window_bounds = array<i64: 1024, 1>}, {pipeline_mode = #tpu.pipeline_mode<synchronous>, transform_indices = @transform_3, window_bounds = array<i64: 2048, 1024>}, {pipeline_mode = #tpu.pipeline_mode<synchronous>, transform_indices = @transform_4, window_bounds = array<i64: 1, 1024>}, {pipeline_mode = #tpu.pipeline_mode<synchronous>, transform_indices = @transform_5, window_bounds = array<i64: 1, 1024>}, {transform_indices = @transform_6, window_bounds = array<i64: 1, 1>}, {transform_indices = @transform_7, window_bounds = array<i64: 1024, 2048>}, {transform_indices = @transform_8, window_bounds = array<i64: 1, 1>}]} {
    %get3A = arith.constant 0 : index
    %get3A_0 = arith.constant 0 : index
    %get3A_1 = vector.load %arg1[%get3A, %get3A_0] : memref<1024x2048xf32, #tpu.memory_space<vmem>>, vector<1024x2048xf32>
    %get3A_2 = arith.constant 0 : index
    %get3A_3 = arith.constant 0 : index
    %get3A_4 = vector.load %arg3[%get3A_2, %get3A_3] : memref<1024x1xf32, #tpu.memory_space<vmem>>, vector<1024x1xf32>
    %gt3A = arith.constant 5.000000e-01 : f32
    %gt3A_5 = vector.broadcast %gt3A : f32 to vector<1024x1xf32>
    %gt3A_6 = arith.cmpf ogt, %get3A_4, %gt3A_5 : vector<1024x1xf32>
    %get3A_7 = arith.constant 0 : index
    %get3A_8 = arith.constant 0 : index
    %get3A_9 = vector.load %arg2[%get3A_7, %get3A_8] : memref<1024x2048xf32, #tpu.memory_space<vmem>>, vector<1024x2048xf32>
    %broadcast_in_dim3A = vector.shape_cast %gt3A_6 : vector<1024x1xi1> to vector<1024x1xi1>
    %broadcast_in_dim3A_10 = vector.broadcast %broadcast_in_dim3A : vector<1024x1xi1> to vector<1024x2048xi1>
    %select_n3A = arith.select %broadcast_in_dim3A_10, %get3A_9, %get3A_1 : vector<1024x2048xi1>, vector<1024x2048xf32>
    %swap3A = arith.constant 0 : index
    %swap3A_11 = arith.constant 0 : index
    %swap3A_12 = vector.load %arg8[%swap3A, %swap3A_11] : memref<1024x2048xf32, #tpu.memory_space<vmem>>, vector<1024x2048xf32>
    tpu.vector_store %arg8[%swap3A, %swap3A_11], %select_n3A {strides = array<i32>} : memref<1024x2048xf32, #tpu.memory_space<vmem>>, vector<1024x2048xf32>,
    %get3A_13 = arith.constant 0 : index
    %get3A_14 = arith.constant 0 : index
    %get3A_15 = vector.load %arg4[%get3A_13, %get3A_14] : memref<2048x1024xf32, #tpu.memory_space<vmem>>, vector<2048x1024xf32>
    %convert_element_type3A = arith.truncf %get3A_15 : vector<2048x1024xf32> to vector<2048x1024xbf16>
    %convert_element_type3A_16 = arith.truncf %get3A_1 : vector<1024x2048xf32> to vector<1024x2048xbf16>
    %dot_general3A = arith.constant dense<0.000000e+00> : vector<1024x1024xf32>
    %dot_general3A_17 = tpu.matmul %convert_element_type3A_16, %convert_element_type3A, %dot_general3A {dimension_numbers = #tpu.dot_dimension_numbers<[1], [0], [0], [1], [0, 0, 1, 1], [], []>, transpose_lhs_hint = false} : vector<1024x2048xbf16>, vector<2048x1024xbf16>, vector<1024x1024xf32> -> vector<1024x1024xf32>
    %get3A_18 = arith.constant 0 : index
    %get3A_19 = arith.constant 0 : index
    %get3A_20 = vector.load %arg6[%get3A_18, %get3A_19] : memref<1x1024xf32, #tpu.memory_space<vmem>>, vector<1x1024xf32>
    %add3A = vector.broadcast %get3A_20 : vector<1x1024xf32> to vector<1024x1024xf32>
    %add3A_21 = arith.addf %dot_general3A_17, %add3A : vector<1024x1024xf32>
    %neg3A = arith.constant 0.000000e+00 : f32
    %neg3A_22 = vector.broadcast %neg3A : f32 to vector<1024x1024xf32>
    %neg3A_23 = arith.subf %neg3A_22, %add3A_21 : vector<1024x1024xf32>
    %exp3A = math.exp %neg3A_23 : vector<1024x1024xf32>
    %add3A_24 = arith.constant 1.000000e+00 : f32
    %add3A_25 = vector.broadcast %add3A_24 : f32 to vector<1024x1024xf32>
    %add3A_26 = arith.addf %add3A_25, %exp3A : vector<1024x1024xf32>
    %div3A = arith.divf %add3A_21, %add3A_26 : vector<1024x1024xf32>
    %convert_element_type3A_27 = arith.truncf %div3A : vector<1024x1024xf32> to vector<1024x1024xbf16>
    %convert_element_type3A_28 = arith.extf %convert_element_type3A_27 : vector<1024x1024xbf16> to vector<1024x1024xf32>
    %get3A_29 = arith.constant 0 : index
    %get3A_30 = arith.constant 0 : index
    %get3A_31 = vector.load %arg5[%get3A_29, %get3A_30] : memref<1x1024xf32, #tpu.memory_space<vmem>>, vector<1x1024xf32>
    %mul3A = vector.broadcast %get3A_31 : vector<1x1024xf32> to vector<1024x1024xf32>
    %mul3A_32 = arith.mulf %convert_element_type3A_28, %mul3A : vector<1024x1024xf32>
    %reduce_sum3A = arith.constant dense<0.000000e+00> : vector<1024xf32>
    %reduce_sum3A_33 = vector.multi_reduction <add>, %mul3A_32, %reduce_sum3A [1] : vector<1024x1024xf32> to vector<1024xf32>
    %broadcast_in_dim3A_34 = vector.shape_cast %reduce_sum3A_33 : vector<1024xf32> to vector<1024x1xf32>
    %get3A_35 = arith.constant 0 : index
    %get3A_36 = arith.constant 0 : index
    %get3A_37 = memref.load %arg7[%get3A_35, %get3A_36] : memref<1x1xf32, #tpu.memory_space<smem>>
    %add3A_38 = vector.broadcast %get3A_37 : f32 to vector<1024x1xf32>
    %add3A_39 = arith.addf %broadcast_in_dim3A_34, %add3A_38 : vector<1024x1xf32>
    %max3A = arith.constant 0.000000e+00 : f32
    %max3A_40 = vector.broadcast %max3A : f32 to vector<1024x1xf32>
    %max3A_41 = arith.maximumf %add3A_39, %max3A_40 : vector<1024x1xf32>
    %mul3A_42 = arith.mulf %add3A_39, %get3A_4 : vector<1024x1xf32>
    %sub3A = arith.subf %max3A_41, %mul3A_42 : vector<1024x1xf32>
    %abs3A = math.absf %add3A_39 : vector<1024x1xf32>
    %neg3A_43 = arith.constant 0.000000e+00 : f32
    %neg3A_44 = vector.broadcast %neg3A_43 : f32 to vector<1024x1xf32>
    %neg3A_45 = arith.subf %neg3A_44, %abs3A : vector<1024x1xf32>
    %exp3A_46 = math.exp %neg3A_45 : vector<1024x1xf32>
    %log1p3A = math.log1p %exp3A_46 : vector<1024x1xf32>
    %add3A_47 = arith.addf %sub3A, %log1p3A : vector<1024x1xf32>
    %reduce_sum3A_48 = vector.shape_cast %add3A_47 : vector<1024x1xf32> to vector<1x1024x1xf32>
    %reduce_sum3A_49 = arith.constant dense<0.000000e+00> : vector<1xf32>
    %reduce_sum3A_50 = vector.multi_reduction <add>, %reduce_sum3A_48, %reduce_sum3A_49 [1, 2] : vector<1x1024x1xf32> to vector<1xf32>
    %reduce_sum3A_51 = vector.shape_cast %reduce_sum3A_50 : vector<1xf32> to vector<1x1x1xf32>
    %reduce_sum3A_52 = vector.extract %reduce_sum3A_51[0, 0, 0] : f32 from vector<1x1x1xf32>
    %eq3A = arith.constant 0 : i32
    %eq3A_53 = arith.cmpi eq, %arg0, %eq3A : i32
    %convert_element_type3A_54 = arith.extui %eq3A_53 : i1 to i32
    %cond3A = arith.constant 0 : i32
    %cond3A_55 = arith.cmpi ne, %convert_element_type3A_54, %cond3A : i32
    scf.if %cond3A_55 {
      %swap3A_63 = arith.constant 0.000000e+00 : f32
      %swap3A_64 = arith.constant 0 : index
      %swap3A_65 = arith.constant 0 : index
      %swap3A_66 = memref.load %arg9[%swap3A_64, %swap3A_65] : memref<1x1xf32, #tpu.memory_space<smem>>
      memref.store %swap3A_63, %arg9[%swap3A_64, %swap3A_65] : memref<1x1xf32, #tpu.memory_space<smem>>
    } else {
    }
    %get3A_56 = arith.constant 0 : index
    %get3A_57 = arith.constant 0 : index
    %get3A_58 = memref.load %arg9[%get3A_56, %get3A_57] : memref<1x1xf32, #tpu.memory_space<smem>>
    %add3A_59 = arith.addf %get3A_58, %reduce_sum3A_52 : f32
    %swap3A_60 = arith.constant 0 : index
    %swap3A_61 = arith.constant 0 : index
    %swap3A_62 = memref.load %arg9[%swap3A_60, %swap3A_61] : memref<1x1xf32, #tpu.memory_space<smem>>
    memref.store %add3A_59, %arg9[%swap3A_60, %swap3A_61] : memref<1x1xf32, #tpu.memory_space<smem>>
    return
  }
  func.func @transform_0(%arg0: i32) -> (i32, i32) {
    %c0_i32 = arith.constant 0 : i32
    %c0_i32_0 = arith.constant 0 : i32
    return %arg0, %c0_i32 : i32, i32
  }
  func.func @transform_1(%arg0: i32) -> (i32, i32) {
    %c0_i32 = arith.constant 0 : i32
    %c0_i32_0 = arith.constant 0 : i32
    return %arg0, %c0_i32 : i32, i32
  }
  func.func @transform_2(%arg0: i32) -> (i32, i32) {
    %c0_i32 = arith.constant 0 : i32
    %c0_i32_0 = arith.constant 0 : i32
    return %arg0, %c0_i32 : i32, i32
  }
  func.func @transform_3(%arg0: i32) -> (i32, i32) {
    %c0_i32 = arith.constant 0 : i32
    %c0_i32_0 = arith.constant 0 : i32
    %c0_i32_1 = arith.constant 0 : i32
    return %c0_i32, %c0_i32_0 : i32, i32
  }
  func.func @transform_4(%arg0: i32) -> (i32, i32) {
    %c0_i32 = arith.constant 0 : i32
    %c0_i32_0 = arith.constant 0 : i32
    %c0_i32_1 = arith.constant 0 : i32
    return %c0_i32, %c0_i32_0 : i32, i32
  }
  func.func @transform_5(%arg0: i32) -> (i32, i32) {
    %c0_i32 = arith.constant 0 : i32
    %c0_i32_0 = arith.constant 0 : i32
    %c0_i32_1 = arith.constant 0 : i32
    return %c0_i32, %c0_i32_0 : i32, i32
  }
  func.func @transform_6(%arg0: i32) -> (i32, i32) {
    %c0_i32 = arith.constant 0 : i32
    %c0_i32_0 = arith.constant 0 : i32
    %c0_i32_1 = arith.constant 0 : i32
    return %c0_i32, %c0_i32_0 : i32, i32
  }
  func.func @transform_7(%arg0: i32) -> (i32, i32) {
    %c0_i32 = arith.constant 0 : i32
    %c0_i32_0 = arith.constant 0 : i32
    return %arg0, %c0_i32 : i32, i32
  }
  func.func @transform_8(%arg0: i32) -> (i32, i32) {
    %c0_i32 = arith.constant 0 : i32
    %c0_i32_0 = arith.constant 0 : i32
    %c0_i32_1 = arith.constant 0 : i32
    return %c0_i32, %c0_i32_0 : i32, i32
  }
}

</mosaic_0001>

<sc_bundles>
// kernel: kernel.6.cloned.1.call-start
scs
__scs_entry_jumppad:
0x0: {  	(pc) =	sbr.rel $0x88, $3  }
0x1: {  	(tag) =	ssettag $0x0;
	lr =	simm.s32 $0x1  }
0x2: {  	[smem:$0x3F97] =	sst lr;
	_ =	strace $0xD0000000  }
0x3: {  	_ = 	snop  }
0x4: {  	_ = 	snop  }
0x5: {  	_ = 	snop  }
0x6: {  	_ = 	snop  }
0x7: {  	_ = 	snop  }
__scs_overlays_trampoline_lowered:
0x8: {  	[smem:$0x3FA6] =	sst s0  }
0x9: {  	[smem:$0x3FA7] =	sst s1  }
0xa: {  	[smem:$0x3FA8] =	sst s2  }
0xb: {  	[smem:$0x3FA9] =	sst s3  }
0xc: {  	[smem:$0x3FAA] =	sst s4  }
0xd: {  	[smem:$0x3FAB] =	sst s5  }
0xe: {  	[smem:$0x3FAC] =	sst s6  }
0xf: {  	[smem:$0x3FAD] =	sst s7  }
0x10: {  	[smem:$0x3FAE] =	sst s8  }
0x11: {  	[smem:$0x3FAF] =	sst s9;
	s0 =	simm.s32 @!p0 $0x0  }
0x12: {  	s1 =	sld [smem:$0x3F95];
	s0 =	simm.s32 @p0 $0x1  }
0x13: {  	[smem:$0x3FB0] =	sst s0;
	s0 =	simm.s32 @!p1 $0x0  }
0x14: {  	s2 =	sld [smem:$0x3F94];
	s0 =	simm.s32 @p1 $0x1  }
0x15: {  	[smem:$0x3FB1] =	sst s0;
	s0 =	simm.s32 @!p2 $0x0  }
0x16: {  	s3 =	sld [smem:$0x3FDB];
	s0 =	simm.s32 @p2 $0x1  }
0x17: {  	s4 =	simm.s32 $0x1BF5;
	[smem:$0x3FB3] =	sst s0  }
0x18: {  	s0 =	sld [smem:$0x3F96];
	_ =	swait.ge [sflag:s4], $0x0  }
0x19: {  	s7 =	sld [smem:$0x3F97]  }
0x1a: {  	s8 =	sadd.s32 $0xFFFFE003, lr  }
0x1b: {  	s9 =	sadd.s32 $0xFFFFFEF7, lr;
	s5 =	simm.s32 $0xFFFFFFFF;
	p2 =	slt.u32 s8, $0xFFFFF086  }
0x1c: {  	p1 =	slt.u32 s9, $0xF7A;
	s5 =	simm.s32 @!p2 $0x0  }
0x1d: {  	s5 =	simm.s32 @p1 $0x1;
	p0 =	seq.s32 s7, s2  }
0x1e: {  	s7 =	smul.u32 @!p0 $0xF7A, s2;
	p2 =	seq.s32 @!p0 s5, $0x0  }
0x1f: {  	s9 =	smul.u32 $0xF7A, s1;
	s8 =	simm.s32 @!p0 $0x1BF5;
	p2 =	por !p2, p0  }
0x20: {  	[sflag:s8] =	ssyncset.s32 @!p0 $0xFFFFF086;
	s6 =	sadd.s32 @!p0 s3, s7;
	s7 =	simm.s32 @!p0 $0x108  }
0x21: {  	s3 =	sadd.s32 s3, s9;
	s6 =	sadd.s32 @!p0 $0x88, s6;
	s7 =	simm.s32 @p2 $0x1082  }
0x22: {  	[simem:s7], [sflag:s8] =	dma.local @!p0 [hbm:s6], $0xF7A  }
0x23: {  	s9 =	sor.u32 $0xD0000000, s2;
	s6 =	simm.s32 $0x108;
	_ =	swait.ge @!p0 [sflag:s8], $0x0  }
0x24: {  	s3 =	sadd.s32 $0x88, s3;
	s6 =	simm.s32 @!p1 $0x1082;
	[sflag:s4] =	ssyncset.s32 $0xFFFFF086  }
0x25: {  	[simem:s6], [sflag:s4] =	dma.local [hbm:s3], $0xF7A  }
0x26: {  	[smem:$0x3F97] =	sst s1;
	(tag) =	ssettag s2;
	_ =	strace s9  }
0x27: {  	s1 =	sld [smem:$0x3FA7]  }
0x28: {  	s2 =	sld [smem:$0x3FA8]  }
0x29: {  	s4 =	sld [smem:$0x3FAA]  }
0x2a: {  	p0 =	seq.s32 s5, $0x0;
	s5 =	sld [smem:$0x3FAB]  }
0x2b: {  	s6 =	sld [smem:$0x3FAC]  }
0x2c: {  	s7 =	sld [smem:$0x3FAD]  }
0x2d: {  	s3 =	simm.s32 $0x108;
	s8 =	sld [smem:$0x3FAE]  }
0x2e: {  	s3 =	simm.s32 @!p0 $0x1082;
	s9 =	sld [smem:$0x3FAF]  }
0x2f: {  	lr =	sadd.s32 s0, s3;
	s0 =	sld [smem:$0x3FA6]  }
0x30: {  	s3 =	sld [smem:$0x3FA9]  }
0x31: {  	[smem:$0x3FB2] =	sst s10  }
0x32: {  	s10 =	sld [smem:$0x3FB0];
	_ =	sdelay $0x3  }
0x33: {  	p0 =	seq.s32 s10, $0x1;
	s10 =	sld [smem:$0x3FB2];
	_ =	sdelay $0x3  }
0x34: {  	[smem:$0x3FB2] =	sst s10  }
0x35: {  	s10 =	sld [smem:$0x3FB1];
	_ =	sdelay $0x3  }
0x36: {  	p1 =	seq.s32 s10, $0x1;
	s10 =	sld [smem:$0x3FB2];
	_ =	sdelay $0x3  }
0x37: {  	[smem:$0x3FB2] =	sst s10  }
0x38: {  	s10 =	sld [smem:$0x3FB3]  }
0x39: {  	_ = 	snop;
	(pc) =	sbr.ind lr, $3  }
0x3a: {  	_ = 	snop  }
0x3b: {  	_ = 	snop  }
0x3c: {  	p2 =	seq.s32 s10, $0x1;
	s10 =	sld [smem:$0x3FB2]  }
0x3d: {  	_ =	shalt  }
0x3e: {  	_ =	shalt  }
0x3f: {  	_ =	shalt  }
0x40: {  	_ =	shalt  }
0x41: {  	_ =	shalt  }
0x42: {  	_ =	shalt  }
0x43: {  	_ =	shalt  }
0x44: {  	_ =	shalt  }
0x45: {  	_ =	shalt  }
0x46: {  	_ =	shalt  }
0x47: {  	_ =	shalt  }
0x48: {  	_ =	shalt  }
0x49: {  	_ =	shalt  }
0x4a: {  	_ =	shalt  }
0x4b: {  	_ =	shalt  }
0x4c: {  	_ =	shalt  }
0x4d: {  	_ =	shalt  }
0x4e: {  	_ =	shalt  }
0x4f: {  	_ =	shalt  }
0x50: {  	_ =	shalt  }
0x51: {  	_ =	shalt  }
0x52: {  	_ =	shalt  }
0x53: {  	_ =	shalt  }
0x54: {  	_ =	shalt  }
0x55: {  	_ =	shalt  }
0x56: {  	_ =	shalt  }
0x57: {  	_ =	shalt  }
0x58: {  	_ =	shalt  }
0x59: {  	_ =	shalt  }
0x5a: {  	_ =	shalt  }
0x5b: {  	_ =	shalt  }
0x5c: {  	_ =	shalt  }
0x5d: {  	_ =	shalt  }
0x5e: {  	_ =	shalt  }
0x5f: {  	_ =	shalt  }
0x60: {  	_ =	shalt  }
0x61: {  	_ =	shalt  }
0x62: {  	_ =	shalt  }
0x63: {  	_ =	shalt  }
0x64: {  	_ =	shalt  }
0x65: {  	_ =	shalt  }
0x66: {  	_ =	shalt  }
0x67: {  	_ =	shalt  }
0x68: {  	_ =	shalt  }
0x69: {  	_ =	shalt  }
0x6a: {  	_ =	shalt  }
0x6b: {  	_ =	shalt  }
0x6c: {  	_ =	shalt  }
0x6d: {  	_ =	shalt  }
0x6e: {  	_ =	shalt  }
0x6f: {  	_ =	shalt  }
0x70: {  	_ =	shalt  }
0x71: {  	_ =	shalt  }
0x72: {  	_ =	shalt  }
0x73: {  	_ =	shalt  }
0x74: {  	_ =	shalt  }
0x75: {  	_ =	shalt  }
0x76: {  	_ =	shalt  }
0x77: {  	_ =	shalt  }
0x78: {  	_ =	shalt  }
0x79: {  	_ =	shalt  }
0x7a: {  	_ =	shalt  }
0x7b: {  	_ =	shalt  }
0x7c: {  	_ =	shalt  }
0x7d: {  	_ =	shalt  }
0x7e: {  	_ =	shalt  }
0x7f: {  	_ =	shalt  }
0x80: {  	_ =	shalt  }
0x81: {  	_ =	shalt  }
0x82: {  	_ =	shalt  }
0x83: {  	_ =	shalt  }
0x84: {  	_ =	shalt  }
0x85: {  	_ =	shalt  }
0x86: {  	_ =	shalt  }
0x87: {  	_ =	shalt  }
.Lfunc_end0:
.L_simem_size_0:
called_computation_lowered:
.L_overlay_start_0:
0x88: {  	s2 =	sld [smem:$0x3FD9]  }
0x89: {  	s3 =	sld [smem:$0x3FFE];
	_ =	sdelay $0x1  }
0x8a: {  	s1 =	srdreg.scid  }
0x8b: {  	s0 =	sand.u32 $0x1, s1  }
0x8c: {  	s14 =	sshll.u32 s0, $0xA;
	s2 =	sadd.s32 s3, s2  }
0x8d: {  	s2 =	sadd.s32 s2, s14  }
0x8e: {  	[smem:$0x3FBE] =	sst s2  }
0x8f: {  	_ = 	snop  }
0x90: {  	s2 =	sld [smem:$0x3FD0];
	_ =	sdelay $0x2  }
0x91: {  	s4 =	simm.s32 $0xA;
	s5 =	simm.s32 $0x10;
	s15 =	sld [smem:$0x3FC9]  }
0x92: {  	[smem:s5], [sflag:s4] =	dma.local [hbm:s2], $0x1  }
0x93: {  	_ =	swait.eq [sflag:s4], $0x1  }
0x94: {  	[sflag:s4] =	ssyncset.done $0x0  }
0x95: {  	[sflag:s4] =	ssyncadd.s32 $0xFFFFFFFF  }
0x96: {  	s16 =	sld [smem:$0x10];
	(tm) =	ssettm $0x1  }
0x97: {  	s17 =	sld [smem:$0x3FFB];
	_ =	sdelay $0x3  }
0x98: {  	_ =	strace s17  }
0x99: {  	s4 =	sld [smem:$0x3FFC];
	_ =	sdelay $0x3  }
0x9a: {  	_ =	strace s4  }
0x9b: {  	s4 =	sld [smem:$0x3FFD];
	_ =	sdelay $0x3  }
0x9c: {  	_ =	strace s4  }
0x9d: {  	_ =	strace $0x8FFFFFFF  }
0x9e: {  	s18 =	sld [smem:$0x3FDB];
	_ =	sdelay $0x1  }
0x9f: {  	s19 =	simm.s32 $_scs_section_size  }
0xa0: {  	s6 =	simm.s32 $_size__tile_overlayer_lowered;
	s7 =	simm.s32 $_tile_overlayer_lowered  }
0xa1: {  	s22 =	simm.s32 $0x1BFF;
	s21 =	sshll.u32 s7, $0x1;
	s4 =	sadd.s32 s19, s18  }
0xa2: {  	s8 =	simm.s32 $0x0;
	s20 =	sshll.u32 s6, $0x1;
	s6 =	sadd.s32 s21, s4  }
0xa3: {  	[timem:s8], [sflag:s22] =	dma.local [hbm:s6], s20  }
0xa4: {  	_ =	swait.ge [sflag:s22], s20  }
0xa5: {  	s5 =	ssub.s32 $0x0, s20;
	[sflag:s22] =	ssyncset.done $0x0  }
0xa6: {  	[sflag:s22] =	ssyncadd.s32 s5;
	_ =	sdelay $0x1  }
0xa7: {  	s23 =	simm.s32 $0x1B8B  }
0xa8: {  	_ =	swait.ge [sflag:s23], $0x1  }
0xa9: {  	[sflag:s23] =	ssyncset.done $0x0  }
0xaa: {  	s25 =	simm.s32 $0x1B8E;
	s24 =	sld [smem:$0x3FFE];
	[sflag:s23] =	ssyncadd.s32 $0xFFFFFFFF  }
0xab: {  	s26 =	simm.s32 $execute0_lowered;
	[smem:$0x3FD2] =	sst s25  }
0xac: {  	s6 =	sshll.u32 s26, $0x1;
	_ =	strace $0x80000046;
	[dreg:$0x1] =	wrdreg $0xFFFFFFFF  }
0xad: {  	s28 =	simm.s32 $_size_execute0_lowered;
	s4 =	sadd.s32 s4, s6;
	[dreg:$0x0] =	wrdreg $0x0  }
0xae: {  	s6 =	sshll.u32 s28, $0x1;
	[dreg:$0x2] =	wrdreg s4  }
0xaf: {  	[dreg:$0x3] =	wrdreg s6  }
0xb0: {  	[dreg:$0x4] =	wrdreg $0xC0  }
0xb1: {  	_ =	task [dreg:s8], $0x5FFFF  }
0xb2: {  	[dreg:$0x1] =	wrdreg $0xFFFFFFFF  }
0xb3: {  	[dreg:$0x0] =	wrdreg $0x60  }
0xb4: {  	[dreg:$0x2] =	wrdreg s24  }
0xb5: {  	[dreg:$0x3] =	wrdreg s15  }
0xb6: {  	[dreg:$0x4] =	wrdreg s16  }
0xb7: {  	[dreg:$0x5] =	wrdreg $0x9  }
0xb8: {  	_ =	task.clear_ibuf [dreg:s8], $0x6FFFF;
	_ =	strace $0x90000046  }
0xb9: {  	s29 =	simm.s32 $0x9;
	_ =	strace $0x80000048  }
0xba: {  	_ =	swait.ge [sflag:s29], $0x1  }
0xbb: {  	[sflag:s29] =	ssyncadd.s32 $0xFFFFFFFF  }
0xbc: {  	_ =	strace $0x90000048  }
0xbd: {  	_ =	sfence  }
0xbe: {  	s30 =	sld [smem:$0x0];
	_ =	sdelay $0x2  }
0xbf: {  	s31 =	sshll.u32 s1, $0xD;
	s1 =	sshrl.u32 s1, $0x2  }
0xc0: {  	s3 =	sand.u32 $0x4000, s31;
	s1 =	sadd.s32 s1, s30  }
0xc1: {  	s0 =	sor.u32 s3, s0;
	s1 =	sshll.u32 s1, $0x11  }
0xc2: {  	s0 =	sor.u32 s1, s0  }
0xc3: {  	s0 =	sadd.s32 $0x8F2B, s0  }
0xc4: {  	[sflag:s0] =	ssyncadd.remote.s32 $0x1  }
0xc5: {  	_ =	sfence.sel $0xFFFF  }
0xc6: {  	[dreg:$0x0] =	wrdreg $0xFFFFFFFF;
	(pc) =	sbr.abs _section_cstart, $3  }
0xc7: {  	[dreg:$0x1] =	wrdreg $0xFFFFFFFF  }
0xc8: {  	_ =	task.clear_ibuf [dreg:s8], $0x2FFFF;
	_ =	strace $0x9FFFFFFF  }
0xc9: {  	(tm) =	ssettm $0x7FFFFFFF  }
tec
execute0_lowered:
.L_overlay_start_1:
0x0: {  	(tag) =	ssettag $0x1  }
0x1: {  	s0 =	rddreg [dreg:$0x0]  }
0x2: {  	s2 =	rddreg [dreg:$0x1]  }
0x3: {  	s1 =	rddreg [dreg:$0x2];
	s3 =	simm.s32 $0x0;
	s16 =	stileid.u32  }
0x4: {  	s5 =	srdreg.scid;
	s18 =	simm.s32 $0x3800;
	s19 =	simm.s32 $0x4080  }
0x5: {  	s20 =	simm.s32 $0x4880;
	s21 =	simm.s32 $0x5080;
	s22 =	simm.s32 $0x5880  }
0x6: {  	s24 =	simm.s32 $0x6080;
	s28 =	simm.s32 $0xC880;
	s29 =	simm.s32 $0xD880  }
0x7: {  	s30 =	simm.s32 $0xE080;
	s31 =	simm.s32 $0xE880;
	[smem:$0x7FF] =	sst s3  }
0x8: {  	s4 =	sshll.u32 s16, $0x4;
	s5 =	sand.u32 $0x1, s5;
	s6 =	sadd.s32 $0x1800, s0  }
0x9: {  	s7 =	sshll.u32 s16, $0x7;
	s10 =	sshll.u32 s16, $0x9;
	s26 =	sshll.u32 s16, $0xC  }
0xa: {  	s25 =	sshll.u32 s16, $0x10;
	_ =	strace $0x80000047;
	[dreg:$0x5] =	wrdreg s18  }
0xb: {  	p0 =	sgt.u32 s16, $0x3;
	s4 =	sadd.s32 s4, s0;
	[dreg:$0x6] =	wrdreg s19  }
0xc: {  	s8 =	ssub.s32 $0x2, s5;
	s9 =	sadd.s32 s7, s0;
	[dreg:$0x7] =	wrdreg s20  }
0xd: {  	s0 =	sadd.s32 s10, s0;
	s12 =	sshll.u32 s5, $0x7;
	[dreg:$0x8] =	wrdreg s21  }
0xe: {  	s7 =	sadd.s32 s6, s7;
	s10 =	sadd.s32 $0x300, s2;
	[dreg:$0x9] =	wrdreg s22  }
0xf: {  	[dreg:$0xa] =	wrdreg s24;
	s1 =	sadd.s32 s25, s1;
	s18 =	simm.s32 $0x9880  }
0x10: {  	s20 =	simm.s32 $0x2;
	s19 =	simm.s32 $0xA080;
	[dreg:$0x18] =	wrdreg s7  }
0x11: {  	s21 =	simm.s32 $0xA880;
	s22 =	simm.s32 $0xB080;
	[dreg:$0x11] =	wrdreg s18  }
0x12: {  	s24 =	simm.s32 $0xB880;
	s25 =	simm.s32 $0xC080;
	[dreg:$0x12] =	wrdreg s19  }
0x13: {  	s11 =	sshrl.u32 s8, $0x1;
	s4 =	sadd.s32 $0x1000, s4;
	[dreg:$0x13] =	wrdreg s21  }
0x14: {  	s13 =	sadd.s32 $0x1A00, s9;
	s0 =	sadd.s32 $0x1C00, s0;
	[dreg:$0x14] =	wrdreg s22  }
0x15: {  	s9 =	sadd.s32 $0x200, s2;
	s7 =	simm.s32 $0x7880;
	[dreg:$0x15] =	wrdreg s24  }
0x16: {  	[dreg:$0x16] =	wrdreg s25;
	s25 =	simm.s32 $0x3880;
	s18 =	simm.s32 $0x10080  }
0x17: {  	s19 =	simm.s32 $0x10880;
	s24 =	simm.s32 $0x11080;
	[dreg:$0x17] =	wrdreg s4  }
0x18: {  	s15 =	ssub.s32 s8, s11;
	s11 =	sshll.u32 s16, $0x8;
	[dreg:$0x19] =	wrdreg s13  }
0x19: {  	[dreg:$0x1a] =	wrdreg s0;
	s8 =	sadd.s32 $0x100, s2;
	s13 =	sadd.s32 $0x600, s2  }
0x1a: {  	s4 =	sor.u32 $0x10, s26;
	s26 =	simm.s32 $0x6880;
	[dreg:$0xd] =	wrdreg s7  }
0x1b: {  	s16 =	simm.s32 $0x8880;
	s7 =	simm.s32 $0x13080;
	s14 =	sor.u32 s12, s11  }
0x1c: {  	s11 =	sadd.s32 $0x400, s2;
	s12 =	sadd.s32 $0x500, s2;
	[dreg:$0x1c] =	wrdreg s4  }
0x1d: {  	s23 =	smax.u32 s15, $0x1;
	[dreg:$0xb] =	wrdreg s26;
	s4 =	simm.s32 $0x7080  }
0x1e: {  	s15 =	simm.s32 $0x8080;
	[dreg:$0xf] =	wrdreg s16;
	s16 =	simm.s32 $0x1  }
0x1f: {  	s17 =	sshrl.u32 s14, $0x3;
	s14 =	sadd.s32 $0x700, s2;
	[dreg:$0xc] =	wrdreg s4  }
0x20: {  	[dreg:$0xe] =	wrdreg s15;
	s4 =	simm.s32 $0x11880;
	s15 =	simm.s32 $0x0  }
0x21: {  	[dreg:$0x1b] =	wrdreg s23;
	s0 =	sadd.s32 s17, s6;
	s6 =	sshll.u32 s5, $0xF  }
0x22: {  	v0 =	vimm.s32 $0x0;
	v1 =	vlaneseq.u32;
	s17 =	simm.s32 $0x9080;
	s5 =	simm.s32 $0x12080;
	[dreg:$0x4] =	wrdreg s0  }
0x23: {  	v2 =	vimm.f32 $0.0e+00;
	vm0 =	vmmov $0xffff;
	v4 =	vshrl.u32 v1, $0x3;
	s26 =	sadd.s32 s6, s1;
	[dreg:$0x10] =	wrdreg s17;
	s0 =	simm.s32 $0xF080  }
0x24: {  	v3 =	vand.u32 $0x7, v1;
	v5 =	vor.u32 $0x8, v1;
	v4 =	vmul.u32 $0x8, v4;
	s1 =	simm.s32 $0xF880;
	s6 =	simm.s32 $0x12880;
	[dreg:$0x1d] =	wrdreg s26  }
.LBB2_1:
.Ltmp0:
0x25: {  	(pc) =	sbr.rel @p0 .LBB2_13-.Ltmp0, $2  }
0x26: {  	_ =	sdelay $0x2  }
0x27: {  	[dreg:$0x1e] =	wrdreg s15  }
0x28: {  	s15 =	rddreg [dreg:$0x17];
	s17 =	simm.s32 $0x80;
	s21 =	simm.s32 $0x200  }
0x29: {  	[tilespmem:s3], [sflag:$0x2] =	stream.strided.gather [hbm4b:s15+s17], $0x1000, s21, s17, $0x38;
	[tilespmem:$0x13880] =	vst v63  }
0x2a: {  	_ =	swait.ge [sflag:s20], $0x1000  }
0x2b: {  	[sflag:s20] =	ssyncset.done $0x0  }
0x2c: {  	s28 =	simm.s32 $0x20;
	[sflag:s20] =	ssyncadd.s32 $0xFFFFF000  }
0x2d: {  	v6 =	vld [tilespmem:s28+$0xFFFFFFE0];
	_ =	sdelay $0x4  }
0x2e: {  	vm1 =	vlt.s32 v6, $0x0;
	v7 =	vxor.u32 $0xFFFFFFFF, v6;
	v6 =	vor.u32 $0x80000000, v6  }
0x2f: {  	s17 =	simm.s32 $0x1020;
	v6 =	vsel vm1, v7, v6  }
0x30: {  	[tilespmem:s17+$0xFFFFFFE0] =	vst v6  }
0x31: {  	v6 =	vld [tilespmem:s28+$0xFFFFFFF0];
	_ =	sdelay $0x4  }
0x32: {  	vm1 =	vlt.s32 v6, $0x0;
	v7 =	vxor.u32 $0xFFFFFFFF, v6;
	v6 =	vor.u32 $0x80000000, v6  }
0x33: {  	v6 =	vsel vm1, v7, v6  }
0x34: {  	[tilespmem:s17+$0xFFFFFFF0] =	vst v6  }
0x35: {  	v6 =	vld [tilespmem:s28+$0x0];
	_ =	sdelay $0x4  }
0x36: {  	vm1 =	vlt.s32 v6, $0x0;
	v7 =	vxor.u32 $0xFFFFFFFF, v6;
	v6 =	vor.u32 $0x80000000, v6  }
0x37: {  	v6 =	vsel vm1, v7, v6  }
0x38: {  	[tilespmem:s17+$0x0] =	vst v6  }
0x39: {  	v6 =	vld [tilespmem:s28+$0x10];
	_ =	sdelay $0x4  }
0x3a: {  	vm1 =	vlt.s32 v6, $0x0;
	v7 =	vxor.u32 $0xFFFFFFFF, v6;
	v6 =	vor.u32 $0x80000000, v6  }
0x3b: {  	v6 =	vsel vm1, v7, v6  }
0x3c: {  	s22 =	simm.s32 $0x60;
	s21 =	simm.s32 $0x0;
	[tilespmem:s17+$0x10] =	vst v6  }
.LBB2_3:
0x3d: {  	v6 =	vld [tilespmem:s22+$0xFFFFFFE0];
	s21 =	sadd.s32 $0x4, s21  }
0x3e: {  	p1 =	slt.u32 s21, $0xFC;
	_ =	sdelay $0x3  }
0x3f: {  	vm1 =	vlt.s32 v6, $0x0;
	v7 =	vxor.u32 $0xFFFFFFFF, v6;
	v6 =	vor.u32 $0x80000000, v6  }
0x40: {  	s17 =	sadd.s32 $0x40, s17;
	v6 =	vsel vm1, v7, v6  }
0x41: {  	[tilespmem:s17+$0xFFFFFFE0] =	vst v6  }
0x42: {  	v6 =	vld [tilespmem:s22+$0xFFFFFFF0];
	_ =	sdelay $0x4  }
0x43: {  	vm1 =	vlt.s32 v6, $0x0;
	v7 =	vxor.u32 $0xFFFFFFFF, v6;
	v6 =	vor.u32 $0x80000000, v6  }
0x44: {  	v6 =	vsel vm1, v7, v6  }
0x45: {  	[tilespmem:s17+$0xFFFFFFF0] =	vst v6  }
0x46: {  	v6 =	vld [tilespmem:s22+$0x0];
	_ =	sdelay $0x4  }
0x47: {  	vm1 =	vlt.s32 v6, $0x0;
	v7 =	vxor.u32 $0xFFFFFFFF, v6;
	v6 =	vor.u32 $0x80000000, v6  }
0x48: {  	v6 =	vsel vm1, v7, v6  }
0x49: {  	[tilespmem:s17+$0x0] =	vst v6  }
0x4a: {  	v6 =	vld [tilespmem:s22+$0x10];
	_ =	sdelay $0x2  }
.Ltmp1:
0x4b: {  	(pc) =	sbr.rel @p1 .LBB2_3-.Ltmp1, $4  }
0x4c: {  	_ = 	snop  }
0x4d: {  	vm1 =	vlt.s32 v6, $0x0;
	v7 =	vxor.u32 $0xFFFFFFFF, v6;
	v6 =	vor.u32 $0x80000000, v6  }
0x4e: {  	v7 =	vsel vm1, v7, v6  }
0x4f: {  	s15 =	simm.s32 $0x0;
	s22 =	sadd.s32 $0x40, s22;
	v6 =	vimm.s32 $0x0;
	[tilespmem:s17+$0x10] =	vst v7  }
0x50: {  	v7 =	vimm.s32 $0x0;
	s22 =	simm.s32 $0x80000000  }
.LBB2_5:
0x51: {  	s17 =	simm.s32 $0x1020  }
0x52: {  	v9 =	vld [tilespmem:s17+$0xFFFFFFE0]  }
0x53: {  	v10 =	vld [tilespmem:s17+$0xFFFFFFF0]  }
0x54: {  	v12 =	vld [tilespmem:s17+$0x0]  }
0x55: {  	s21 =	sshrl.u32 s22, s15  }
0x56: {  	v8 =	vor.u32 s21, v7;
	v13 =	vld [tilespmem:s17+$0x10]  }
0x57: {  	vm1 =	vgt.u32 v9, v8  }
0x58: {  	s17 =	simm.s32 $0x1060;
	v14 =	vmpcnt.ones.xlane vm1;
	vm1 =	vgt.u32 v10, v8  }
0x59: {  	v11 =	vld [tilespmem:s17+$0xFFFFFFE0];
	v15 =	vmpcnt.ones.xlane vm1;
	vm1 =	vgt.u32 v12, v8  }
0x5a: {  	v9 =	vld [tilespmem:s17+$0xFFFFFFF0];
	v12 =	vadd.s32 v6, v14;
	v14 =	vmpcnt.ones.xlane vm1  }
0x5b: {  	v10 =	vld [tilespmem:s17+$0x0];
	vm1 =	vgt.u32 v13, v8;
	v15 =	vadd.s32 v15, v12  }
0x5c: {  	s21 =	simm.s32 $0x4;
	v12 =	vld [tilespmem:s17+$0x10];
	v13 =	vmpcnt.ones.xlane vm1;
	v14 =	vadd.s32 v14, v15  }
.LBB2_6:
0x5d: {  	s21 =	sadd.s32 $0x4, s21  }
0x5e: {  	vm1 =	vgt.u32 v11, v8;
	s17 =	sadd.s32 $0x40, s17;
	v13 =	vadd.s32 v13, v14;
	p1 =	slt.u32 s21, $0xFC  }
.Ltmp2:
0x5f: {  	v11 =	vld [tilespmem:s17+$0xFFFFFFE0];
	v14 =	vmpcnt.ones.xlane vm1;
	vm1 =	vgt.u32 v9, v8;
	(pc) =	sbr.rel @p1 .LBB2_6-.Ltmp2, $4  }
0x60: {  	v9 =	vld [tilespmem:s17+$0xFFFFFFF0];
	v15 =	vmpcnt.ones.xlane vm1;
	vm1 =	vgt.u32 v10, v8  }
0x61: {  	v10 =	vld [tilespmem:s17+$0x0];
	v13 =	vadd.s32 v13, v14;
	v14 =	vmpcnt.ones.xlane vm1;
	vm1 =	vgt.u32 v12, v8  }
0x62: {  	v12 =	vld [tilespmem:s17+$0x10];
	v15 =	vadd.s32 v15, v13;
	v13 =	vmpcnt.ones.xlane vm1  }
0x63: {  	v14 =	vadd.s32 v14, v15  }
0x64: {  	vm1 =	vgt.u32 v11, v8  }
0x65: {  	v11 =	vmpcnt.ones.xlane vm1;
	vm1 =	vgt.u32 v9, v8  }
0x66: {  	v61 =	vadd.s32 v13, v14;
	s15 =	sadd.s32 $0x1, s15;
	v62 =	vmpcnt.ones.xlane vm1;
	vm1 =	vgt.u32 v10, v8  }
0x67: {  	p1 =	sne.s32 s15, $0x20;
	v9 =	vadd.s32 v61, v11;
	v10 =	vmpcnt.ones.xlane vm1;
	vm1 =	vgt.u32 v12, v8  }
.Ltmp3:
0x68: {  	v9 =	vadd.s32 v62, v9;
	v63 =	vmpcnt.ones.xlane vm1;
	(pc) =	sbr.rel @p1 .LBB2_5-.Ltmp3, $4  }
0x69: {  	v9 =	vadd.s32 v10, v9  }
0x6a: {  	v9 =	vadd.s32 v63, v9  }
0x6b: {  	vm1 =	vgt.s32 v9, $0x3FF  }
0x6c: {  	v7 =	vsel vm1, v8, v7  }
0x6d: {  	s15 =	simm.s32 $0x1020  }
0x6e: {  	v8 =	vld [tilespmem:s15+$0xFFFFFFE0]  }
0x6f: {  	v9 =	vld [tilespmem:s15+$0xFFFFFFF0]  }
0x70: {  	v10 =	vld [tilespmem:s15+$0x0];
	_ =	sdelay $0x1  }
0x71: {  	v6 =	vadd.s32 $0x1, v7;
	v11 =	vld [tilespmem:s15+$0x10]  }
0x72: {  	vm1 =	vgt.u32 v8, v6  }
0x73: {  	s15 =	simm.s32 $0x1060;
	v8 =	vmpcnt.ones.xlane vm1;
	vm1 =	vgt.u32 v9, v6  }
0x74: {  	v12 =	vimm.s32 $0x0;
	v9 =	vld [tilespmem:s15+$0xFFFFFFE0];
	v13 =	vmpcnt.ones.xlane vm1;
	vm1 =	vgt.u32 v10, v6  }
0x75: {  	v7 =	vld [tilespmem:s15+$0xFFFFFFF0];
	v10 =	vadd.s32 v12, v8;
	v12 =	vmpcnt.ones.xlane vm1  }
0x76: {  	v8 =	vld [tilespmem:s15+$0x0];
	vm1 =	vgt.u32 v11, v6;
	v13 =	vadd.s32 v13, v10  }
0x77: {  	s17 =	simm.s32 $0x4;
	v10 =	vld [tilespmem:s15+$0x10];
	v11 =	vmpcnt.ones.xlane vm1;
	v12 =	vadd.s32 v12, v13  }
.LBB2_9:
0x78: {  	s17 =	sadd.s32 $0x4, s17  }
0x79: {  	vm1 =	vgt.u32 v9, v6;
	s15 =	sadd.s32 $0x40, s15;
	v11 =	vadd.s32 v11, v12;
	p1 =	slt.u32 s17, $0xFC  }
.Ltmp4:
0x7a: {  	v9 =	vld [tilespmem:s15+$0xFFFFFFE0];
	v12 =	vmpcnt.ones.xlane vm1;
	vm1 =	vgt.u32 v7, v6;
	(pc) =	sbr.rel @p1 .LBB2_9-.Ltmp4, $4  }
0x7b: {  	v7 =	vld [tilespmem:s15+$0xFFFFFFF0];
	v13 =	vmpcnt.ones.xlane vm1;
	vm1 =	vgt.u32 v8, v6  }
0x7c: {  	v8 =	vld [tilespmem:s15+$0x0];
	v11 =	vadd.s32 v11, v12;
	v12 =	vmpcnt.ones.xlane vm1;
	vm1 =	vgt.u32 v10, v6  }
0x7d: {  	v10 =	vld [tilespmem:s15+$0x10];
	v13 =	vadd.s32 v13, v11;
	v11 =	vmpcnt.ones.xlane vm1  }
0x7e: {  	v12 =	vadd.s32 v12, v13  }
0x7f: {  	vm1 =	vgt.u32 v9, v6  }
0x80: {  	v9 =	vmpcnt.ones.xlane vm1;
	vm1 =	vgt.u32 v7, v6  }
0x81: {  	v7 =	vadd.s32 v11, v12;
	v11 =	vmpcnt.ones.xlane vm1;
	vm1 =	vgt.u32 v8, v6  }
0x82: {  	v7 =	vadd.s32 v7, v9;
	v8 =	vmpcnt.ones.xlane vm1;
	vm1 =	vgt.u32 v10, v6  }
0x83: {  	v7 =	vadd.s32 v11, v7;
	v9 =	vmpcnt.ones.xlane vm1  }
0x84: {  	v7 =	vadd.s32 v8, v7  }
0x85: {  	s15 =	simm.s32 $0xFFFFFFFE;
	s17 =	simm.s32 $0x1010;
	s21 =	simm.s32 $0x10;
	v7 =	vadd.s32 v9, v7  }
0x86: {  	s22 =	simm.s32 $0x2810;
	s23 =	rddreg [dreg:$0x1c];
	s28 =	simm.s32 $0x2400;
	v8 =	vimm.s32 $0x0;
	v9 =	vimm.s32 $0x0;
	v7 =	vsub.s32 $0x400, v7  }
.LBB2_11:
0x87: {  	v10 =	vld [tilespmem:s17+$0xFFFFFFF0];
	_ =	sdelay $0x4  }
0x88: {  	vm1 =	veq.s32 v10, v6  }
0x89: {  	v11 =	vsel vm1, $0x1, v0  }
0x8a: {  	(xrf0) =	vadd.scan.msk.s32 $0xffff, v11;
	_ =	sdelay $0x5  }
0x8b: {  	v11, _, _ =	vpop (xrf0)  }
0x8c: {  	v11 =	vadd.s32 v9, v11  }
0x8d: {  	vm2 =	vle.s32 v11, v7  }
0x8e: {  	vm3 =	vgt.u32 v10, v6;
	vm2 =	vmand vm1, vm2  }
0x8f: {  	vm2 =	vmor vm3, vm2  }
0x90: {  	v10 =	vsel vm2, $0x1, v0  }
0x91: {  	(xrf0) =	vadd.scan.msk.s32 $0xffff, v10;
	_ =	sdelay $0x5  }
0x92: {  	v10, _, _ =	vpop (xrf0)  }
0x93: {  	v10 =	vadd.s32 v10, v8  }
0x94: {  	v10 =	vadd.s32 $0xFFFFFFFF, v10  }
0x95: {  	v11 =	vld [tilespmem:s21+$0xFFFFFFF0];
	_ =	sdelay $0x1  }
0x96: {  	s26 =	sadd.s32 $0xFFFFFFF0, s23  }
0x97: {  	v12 =	vor.u32 s26, v1;
	s26 =	simm.s32 $0x2000  }
0x98: {  	[tilespmem:v10+s26+$0x0] =	vst.idx.msk vm2, v12  }
0x99: {  	[tilespmem:v10+s28+$0x0] =	vst.idx.msk vm2, v11;
	v10 =	vsel vm2, $0x3F800000, v2  }
0x9a: {  	[tilespmem:s22+$0xFFFFFFF0] =	vst v10  }
0x9b: {  	v10 =	vld [tilespmem:s17+$0x0];
	_ =	sdelay $0x4  }
0x9c: {  	vm3 =	veq.s32 v10, v6  }
0x9d: {  	v11 =	vsel vm3, $0x1, v0  }
0x9e: {  	(xrf0) =	vadd.scan.msk.s32 $0xffff, v11;
	_ =	sdelay $0x1  }
0x9f: {  	v11 =	vmpcnt.ones.xlane vm1;
	_ =	sdelay $0x3  }
0xa0: {  	v9 =	vadd.s32 v9, v11;
	v11, _, _ =	vpop (xrf0)  }
0xa1: {  	v11 =	vadd.s32 v9, v11  }
0xa2: {  	vm1 =	vle.s32 v11, v7  }
0xa3: {  	vm4 =	vgt.u32 v10, v6;
	vm1 =	vmand vm3, vm1  }
0xa4: {  	vm1 =	vmor vm4, vm1  }
0xa5: {  	v10 =	vsel vm1, $0x1, v0  }
0xa6: {  	(xrf0) =	vadd.scan.msk.s32 $0xffff, v10;
	_ =	sdelay $0x1  }
0xa7: {  	v10 =	vmpcnt.ones.xlane vm2;
	_ =	sdelay $0x3  }
0xa8: {  	v8 =	vadd.s32 v8, v10;
	v10, _, _ =	vpop (xrf0)  }
0xa9: {  	v10 =	vadd.s32 v10, v8  }
0xaa: {  	v10 =	vadd.s32 $0xFFFFFFFF, v10  }
0xab: {  	v11 =	vld [tilespmem:s21+$0x0]  }
0xac: {  	s15 =	sadd.s32 $0x2, s15  }
0xad: {  	p1 =	slt.u32 s15, $0xFE  }
.Ltmp5:
0xae: {  	v62 =	vor.u32 s23, v1;
	(pc) =	sbr.rel @p1 .LBB2_11-.Ltmp5, $4  }
0xaf: {  	[tilespmem:v10+s26+$0x0] =	vst.idx.msk vm1, v62  }
0xb0: {  	v63 =	vmpcnt.ones.xlane vm3;
	[tilespmem:v10+s28+$0x0] =	vst.idx.msk vm1, v11;
	v11 =	vmpcnt.ones.xlane vm1  }
0xb1: {  	s23 =	sadd.s32 $0x20, s23;
	v10 =	vsel vm1, $0x3F800000, v2  }
0xb2: {  	s17 =	sadd.s32 $0x20, s17;
	v9 =	vadd.s32 v9, v63;
	s21 =	sadd.s32 $0x20, s21;
	[tilespmem:s22+$0x0] =	vst v10;
	s22 =	sadd.s32 $0x20, s22;
	v8 =	vadd.s32 v8, v11  }
0xb3: {  	s15 =	rddreg [dreg:$0x18]  }
0xb4: {  	[hbm4b:s15+s3] =	stream.linear.scatter [tilespmem:s26], [sflag:$0x2], $0x400, $0x38;
	[tilespmem:$0x13880] =	vst v63  }
0xb5: {  	_ =	swait.ge [sflag:s20], $0x400  }
0xb6: {  	[sflag:s20] =	ssyncset.done $0x0  }
0xb7: {  	s23 =	rddreg [dreg:$0x19];
	[sflag:s20] =	ssyncadd.s32 $0xFFFFFC00  }
0xb8: {  	[hbm4b:s23+s3] =	stream.linear.scatter [tilespmem:s28], [sflag:$0x2], $0x400, $0x38;
	[tilespmem:$0x13880] =	vst v63  }
0xb9: {  	_ =	swait.ge [sflag:s20], $0x400  }
0xba: {  	[sflag:s20] =	ssyncset.done $0x0  }
0xbb: {  	s17 =	simm.s32 $0x2800;
	s26 =	rddreg [dreg:$0x1a];
	[sflag:s20] =	ssyncadd.s32 $0xFFFFFC00  }
0xbc: {  	[hbm4b:s26+s3] =	stream.linear.scatter [tilespmem:s17], [sflag:$0x2], $0x1000, $0x38;
	[tilespmem:$0x13880] =	vst v63  }
0xbd: {  	_ =	swait.ge [sflag:s20], $0x1000  }
0xbe: {  	[sflag:s20] =	ssyncset.done $0x0;
	s23 =	rddreg [dreg:$0x1b]  }
0xbf: {  	s28 =	simm.s32 $0xC880;
	s26 =	rddreg [dreg:$0x1d];
	[sflag:s20] =	ssyncadd.s32 $0xFFFFF000  }
.LBB2_13:
0xc0: {  	[bflag:$0x0] =	sbarrier.arrive $0xFFFF;
	s17 =	simm.s32 $0x0;
	s15 =	smov.u32 s26  }
.LBB2_14:
0xc1: {  	s21 =	rddreg [dreg:$0x4]  }
0xc2: {  	s22 =	rddreg [dreg:$0x5];
	s21 =	sadd.s32 s17, s21  }
0xc3: {  	[tilespmem:s22], [sflag:$0x2] =	stream.linear.gather [hbm4b:s21+s3], $0x20, $0x38;
	[tilespmem:$0x13880] =	vst v63  }
0xc4: {  	_ =	swait.ge [sflag:s20], $0x20  }
0xc5: {  	[sflag:s20] =	ssyncset.done $0x0  }
0xc6: {  	[sflag:s20] =	ssyncadd.s32 $0xFFFFFFE0  }
0xc7: {  	v6 =	vld [tilespmem:$0x3800];
	_ =	sdelay $0x4  }
0xc8: {  	v7 =	vshll.u32 v6, $0x4  }
0xc9: {  	v6 =	vand.u32 $0x7, v6;
	v7 =	vand.u32 $0xFFFFFF80, v7  }
0xca: {  	v6 =	vor.u32 v6, v7  }
0xcb: {  	v7 =	vperm.xlane v6, v3;
	_ =	sdelay $0x1  }
0xcc: {  	v7 =	vadd.s32 v4, v7;
	_ =	sdelay $0x4  }
0xcd: {  	[tilespmem:s25], [sflag:$0x1] =	stream.indirect_vreg.gather [hbm4b:s2+s3], $0x80, v7, vm0, $0xb8;
	[tilespmem:$0x13880] =	vst v63  }
0xce: {  	s21 =	rddreg [dreg:$0x6]  }
0xcf: {  	[tilespmem:s21], [sflag:$0x1] =	stream.indirect_vreg.gather [hbm4b:s8+s3], $0x80, v7, vm0, $0xb8;
	[tilespmem:$0x13880] =	vst v63  }
0xd0: {  	s22 =	rddreg [dreg:$0x7]  }
0xd1: {  	[tilespmem:s22], [sflag:$0x1] =	stream.indirect_vreg.gather [hbm4b:s9+s3], $0x80, v7, vm0, $0xb8;
	[tilespmem:$0x13880] =	vst v63  }
0xd2: {  	s21 =	rddreg [dreg:$0x8]  }
0xd3: {  	[tilespmem:s21], [sflag:$0x1] =	stream.indirect_vreg.gather [hbm4b:s10+s3], $0x80, v7, vm0, $0xb8;
	[tilespmem:$0x13880] =	vst v63  }
0xd4: {  	s22 =	rddreg [dreg:$0x9]  }
0xd5: {  	[tilespmem:s22], [sflag:$0x1] =	stream.indirect_vreg.gather [hbm4b:s11+s3], $0x80, v7, vm0, $0xb8;
	[tilespmem:$0x13880] =	vst v63  }
0xd6: {  	v6 =	vperm.xlane v6, v5;
	s21 =	rddreg [dreg:$0xa]  }
0xd7: {  	[tilespmem:s21], [sflag:$0x1] =	stream.indirect_vreg.gather [hbm4b:s12+s3], $0x80, v7, vm0, $0xb8;
	[tilespmem:$0x13880] =	vst v63  }
0xd8: {  	v6 =	vadd.s32 v4, v6;
	s22 =	rddreg [dreg:$0xb]  }
0xd9: {  	[tilespmem:s22], [sflag:$0x1] =	stream.indirect_vreg.gather [hbm4b:s13+s3], $0x80, v7, vm0, $0xb8;
	[tilespmem:$0x13880] =	vst v63  }
0xda: {  	s21 =	rddreg [dreg:$0xc]  }
0xdb: {  	[tilespmem:s21], [sflag:$0x1] =	stream.indirect_vreg.gather [hbm4b:s14+s3], $0x80, v7, vm0, $0xb8;
	[tilespmem:$0x13880] =	vst v63  }
0xdc: {  	s22 =	rddreg [dreg:$0xd]  }
0xdd: {  	[tilespmem:s22], [sflag:$0x1] =	stream.indirect_vreg.gather [hbm4b:s2+s3], $0x80, v6, vm0, $0xb8;
	[tilespmem:$0x13880] =	vst v63  }
0xde: {  	s21 =	rddreg [dreg:$0xe]  }
0xdf: {  	[tilespmem:s21], [sflag:$0x1] =	stream.indirect_vreg.gather [hbm4b:s8+s3], $0x80, v6, vm0, $0xb8;
	[tilespmem:$0x13880] =	vst v63  }
0xe0: {  	s22 =	rddreg [dreg:$0xf]  }
0xe1: {  	[tilespmem:s22], [sflag:$0x1] =	stream.indirect_vreg.gather [hbm4b:s9+s3], $0x80, v6, vm0, $0xb8;
	[tilespmem:$0x13880] =	vst v63  }
0xe2: {  	s21 =	rddreg [dreg:$0x10]  }
0xe3: {  	[tilespmem:s21], [sflag:$0x1] =	stream.indirect_vreg.gather [hbm4b:s10+s3], $0x80, v6, vm0, $0xb8;
	[tilespmem:$0x13880] =	vst v63  }
0xe4: {  	s22 =	rddreg [dreg:$0x11]  }
0xe5: {  	[tilespmem:s22], [sflag:$0x1] =	stream.indirect_vreg.gather [hbm4b:s11+s3], $0x80, v6, vm0, $0xb8;
	[tilespmem:$0x13880] =	vst v63  }
0xe6: {  	s21 =	rddreg [dreg:$0x12]  }
0xe7: {  	[tilespmem:s21], [sflag:$0x1] =	stream.indirect_vreg.gather [hbm4b:s12+s3], $0x80, v6, vm0, $0xb8;
	[tilespmem:$0x13880] =	vst v63  }
0xe8: {  	s22 =	rddreg [dreg:$0x13]  }
0xe9: {  	[tilespmem:s22], [sflag:$0x1] =	stream.indirect_vreg.gather [hbm4b:s13+s3], $0x80, v6, vm0, $0xb8;
	[tilespmem:$0x13880] =	vst v63  }
0xea: {  	s21 =	rddreg [dreg:$0x14]  }
0xeb: {  	[tilespmem:s21], [sflag:$0x1] =	stream.indirect_vreg.gather [hbm4b:s14+s3], $0x80, v6, vm0, $0xb8;
	[tilespmem:$0x13880] =	vst v63  }
0xec: {  	v6 =	vld [tilespmem:$0x3810];
	_ =	sdelay $0x4  }
0xed: {  	v7 =	vshll.u32 v6, $0x4  }
0xee: {  	v6 =	vand.u32 $0x7, v6;
	v7 =	vand.u32 $0xFFFFFF80, v7  }
0xef: {  	v6 =	vor.u32 v6, v7  }
0xf0: {  	v7 =	vperm.xlane v6, v3;
	_ =	sdelay $0x1  }
0xf1: {  	v7 =	vadd.s32 v4, v7;
	_ =	sdelay $0x3  }
0xf2: {  	s21 =	rddreg [dreg:$0x15]  }
0xf3: {  	[tilespmem:s21], [sflag:$0x1] =	stream.indirect_vreg.gather [hbm4b:s2+s3], $0x80, v7, vm0, $0xb8;
	[tilespmem:$0x13880] =	vst v63  }
0xf4: {  	s22 =	rddreg [dreg:$0x16]  }
0xf5: {  	[tilespmem:s22], [sflag:$0x1] =	stream.indirect_vreg.gather [hbm4b:s8+s3], $0x80, v7, vm0, $0xb8;
	[tilespmem:$0x13880] =	vst v63  }
0xf6: {  	_ = 	snop  }
0xf7: {  	[tilespmem:s28], [sflag:$0x1] =	stream.indirect_vreg.gather [hbm4b:s9+s3], $0x80, v7, vm0, $0xb8;
	[tilespmem:$0x13880] =	vst v63  }
0xf8: {  	s21 =	simm.s32 $0xD080  }
0xf9: {  	[tilespmem:s21], [sflag:$0x1] =	stream.indirect_vreg.gather [hbm4b:s10+s3], $0x80, v7, vm0, $0xb8;
	[tilespmem:$0x13880] =	vst v63  }
0xfa: {  	_ = 	snop  }
0xfb: {  	[tilespmem:s29], [sflag:$0x1] =	stream.indirect_vreg.gather [hbm4b:s11+s3], $0x80, v7, vm0, $0xb8;
	[tilespmem:$0x13880] =	vst v63  }
0xfc: {  	v6 =	vperm.xlane v6, v5  }
0xfd: {  	[tilespmem:s30], [sflag:$0x1] =	stream.indirect_vreg.gather [hbm4b:s12+s3], $0x80, v7, vm0, $0xb8;
	[tilespmem:$0x13880] =	vst v63  }
0xfe: {  	v6 =	vadd.s32 v4, v6  }
0xff: {  	[tilespmem:s31], [sflag:$0x1] =	stream.indirect_vreg.gather [hbm4b:s13+s3], $0x80, v7, vm0, $0xb8;
	[tilespmem:$0x13880] =	vst v63  }
0x100: {  	_ = 	snop  }
0x101: {  	[tilespmem:s0], [sflag:$0x1] =	stream.indirect_vreg.gather [hbm4b:s14+s3], $0x80, v7, vm0, $0xb8;
	[tilespmem:$0x13880] =	vst v63  }
0x102: {  	_ = 	snop  }
0x103: {  	[tilespmem:s1], [sflag:$0x1] =	stream.indirect_vreg.gather [hbm4b:s2+s3], $0x80, v6, vm0, $0xb8;
	[tilespmem:$0x13880] =	vst v63  }
0x104: {  	_ = 	snop  }
0x105: {  	[tilespmem:s18], [sflag:$0x1] =	stream.indirect_vreg.gather [hbm4b:s8+s3], $0x80, v6, vm0, $0xb8;
	[tilespmem:$0x13880] =	vst v63  }
0x106: {  	_ = 	snop  }
0x107: {  	[tilespmem:s19], [sflag:$0x1] =	stream.indirect_vreg.gather [hbm4b:s9+s3], $0x80, v6, vm0, $0xb8;
	[tilespmem:$0x13880] =	vst v63  }
0x108: {  	_ = 	snop  }
0x109: {  	[tilespmem:s24], [sflag:$0x1] =	stream.indirect_vreg.gather [hbm4b:s10+s3], $0x80, v6, vm0, $0xb8;
	[tilespmem:$0x13880] =	vst v63  }
0x10a: {  	_ = 	snop  }
0x10b: {  	[tilespmem:s4], [sflag:$0x1] =	stream.indirect_vreg.gather [hbm4b:s11+s3], $0x80, v6, vm0, $0xb8;
	[tilespmem:$0x13880] =	vst v63  }
0x10c: {  	_ = 	snop  }
0x10d: {  	[tilespmem:s5], [sflag:$0x1] =	stream.indirect_vreg.gather [hbm4b:s12+s3], $0x80, v6, vm0, $0xb8;
	[tilespmem:$0x13880] =	vst v63  }
0x10e: {  	_ = 	snop  }
0x10f: {  	[tilespmem:s6], [sflag:$0x1] =	stream.indirect_vreg.gather [hbm4b:s13+s3], $0x80, v6, vm0, $0xb8;
	[tilespmem:$0x13880] =	vst v63  }
0x110: {  	_ = 	snop  }
0x111: {  	[tilespmem:s7], [sflag:$0x1] =	stream.indirect_vreg.gather [hbm4b:s14+s3], $0x80, v6, vm0, $0xb8;
	[tilespmem:$0x13880] =	vst v63  }
0x112: {  	_ =	swait.ge [sflag:s16], $0x10000  }
0x113: {  	p1 =	sne.s32 s17, $0xC;
	[sflag:s16] =	ssyncset.done $0x0  }
.Ltmp6:
0x114: {  	[sflag:s16] =	ssyncadd.s32 $0xFFFF0000;
	(pc) =	sbr.rel @p1 .LBB2_14-.Ltmp6, $4  }
0x115: {  	[hbm4b:s15+s3] =	stream.linear.scatter [tilespmem:s25], [sflag:$0x2], $0x10000, $0x38;
	[tilespmem:$0x13880] =	vst v63  }
0x116: {  	_ =	swait.ge [sflag:s20], $0x10000  }
0x117: {  	[sflag:s20] =	ssyncset.done $0x0  }
0x118: {  	s17 =	sadd.s32 $0x4, s17;
	s15 =	sadd.s32 $0x2000, s15;
	[sflag:s20] =	ssyncadd.s32 $0xFFFF0000  }
0x119: {  	s15 =	rddreg [dreg:$0x1e]  }
0x11a: {  	s15 =	sadd.s32 $0x1, s15  }
0x11b: {  	p1 =	sne.s32 s15, s23  }
.Ltmp7:
0x11c: {  	_ = 	snop;
	(pc) =	sbr.rel @p1 .LBB2_1-.Ltmp7, $1  }
0x11d: {  	_ =	sdelay $0x3  }
0x11e: {  	_ =	sfence.sel $0x180000  }
0x11f: {  	[bflag:$0x0] =	sbarrier.arrive $0xFFFF  }
0x120: {  	_ =	strace $0x90000047  }
0x121: {  	s0 =	stileid.u32;
	[bflag:$0x2] =	sbarrier.arrive $0xFFFF  }
0x122: {  	p0 =	sne.s32 s0, $0x0;
	s0 =	rddreg [dreg:$0x3]  }
0x123: {  	s0 =	sadd.s32 @!p0 $0x100000, s0  }
0x124: {  	[sflag:s0] =	ssyncadd.tile.s32 @!p0 $0x1;
	_ =	shalt  }
.Lfunc_end2:
_tile_overlayer_lowered:
.L_overlay_start_2:
0x125: {  	(tag) =	ssettag $0x2  }
0x126: {  	s0 =	rddreg [dreg:$0x0];
	s2 =	stileid.u32  }
0x127: {  	s1 =	rddreg [dreg:$0x1];
	p0 =	sne.s32 s2, $0x0  }
0x128: {  	s3 =	rddreg [dreg:$0x2];
	[bflag:$0x3] =	sbarrier.arrive $0xFFFF;
	s2 =	simm.s32 @!p0 $0x1C02  }
0x129: {  	[timem:s3], [sflag:s2] =	dma.local @!p0 [hbm:s0], s1  }
0x12a: {  	s0 =	simm.s32 @!p0 $0x2  }
0x12b: {  	_ =	swait.ge @!p0 [sflag:s0], s1  }
0x12c: {  	s1 =	ssub.s32 @!p0 $0x0, s1;
	[sflag:s0] =	ssyncset.done @!p0 $0x0  }
0x12d: {  	[sflag:s0] =	ssyncadd.s32 @!p0 s1  }
0x12e: {  	[bflag:$0x3] =	sbarrier.arrive $0xFFFF  }
0x12f: {  	_ =	shalt  }

// kernel: kernel.9.cloned.1.call-start
scs
__scs_entry_jumppad:
0x0: {  	(pc) =	sbr.rel $0x88, $3  }
0x1: {  	(tag) =	ssettag $0x0;
	lr =	simm.s32 $0x1  }
0x2: {  	[smem:$0x3F97] =	sst lr;
	_ =	strace $0xD0000000  }
0x3: {  	_ = 	snop  }
0x4: {  	_ = 	snop  }
0x5: {  	_ = 	snop  }
0x6: {  	_ = 	snop  }
0x7: {  	_ = 	snop  }
__scs_overlays_trampoline_lowered:
0x8: {  	[smem:$0x3FA6] =	sst s0  }
0x9: {  	[smem:$0x3FA7] =	sst s1  }
0xa: {  	[smem:$0x3FA8] =	sst s2  }
0xb: {  	[smem:$0x3FA9] =	sst s3  }
0xc: {  	[smem:$0x3FAA] =	sst s4  }
0xd: {  	[smem:$0x3FAB] =	sst s5  }
0xe: {  	[smem:$0x3FAC] =	sst s6  }
0xf: {  	[smem:$0x3FAD] =	sst s7  }
0x10: {  	[smem:$0x3FAE] =	sst s8  }
0x11: {  	[smem:$0x3FAF] =	sst s9;
	s0 =	simm.s32 @!p0 $0x0  }
0x12: {  	s1 =	sld [smem:$0x3F95];
	s0 =	simm.s32 @p0 $0x1  }
0x13: {  	[smem:$0x3FB0] =	sst s0;
	s0 =	simm.s32 @!p1 $0x0  }
0x14: {  	s2 =	sld [smem:$0x3F94];
	s0 =	simm.s32 @p1 $0x1  }
0x15: {  	[smem:$0x3FB1] =	sst s0;
	s0 =	simm.s32 @!p2 $0x0  }
0x16: {  	s3 =	sld [smem:$0x3FDB];
	s0 =	simm.s32 @p2 $0x1  }
0x17: {  	s4 =	simm.s32 $0x1BF5;
	[smem:$0x3FB3] =	sst s0  }
0x18: {  	s0 =	sld [smem:$0x3F96];
	_ =	swait.ge [sflag:s4], $0x0  }
0x19: {  	s7 =	sld [smem:$0x3F97]  }
0x1a: {  	s8 =	sadd.s32 $0xFFFFE003, lr  }
0x1b: {  	s9 =	sadd.s32 $0xFFFFFEF7, lr;
	s5 =	simm.s32 $0xFFFFFFFF;
	p2 =	slt.u32 s8, $0xFFFFF086  }
0x1c: {  	p1 =	slt.u32 s9, $0xF7A;
	s5 =	simm.s32 @!p2 $0x0  }
0x1d: {  	s5 =	simm.s32 @p1 $0x1;
	p0 =	seq.s32 s7, s2  }
0x1e: {  	s7 =	smul.u32 @!p0 $0xF7A, s2;
	p2 =	seq.s32 @!p0 s5, $0x0  }
0x1f: {  	s9 =	smul.u32 $0xF7A, s1;
	s8 =	simm.s32 @!p0 $0x1BF5;
	p2 =	por !p2, p0  }
0x20: {  	[sflag:s8] =	ssyncset.s32 @!p0 $0xFFFFF086;
	s6 =	sadd.s32 @!p0 s3, s7;
	s7 =	simm.s32 @!p0 $0x108  }
0x21: {  	s3 =	sadd.s32 s3, s9;
	s6 =	sadd.s32 @!p0 $0x88, s6;
	s7 =	simm.s32 @p2 $0x1082  }
0x22: {  	[simem:s7], [sflag:s8] =	dma.local @!p0 [hbm:s6], $0xF7A  }
0x23: {  	s9 =	sor.u32 $0xD0000000, s2;
	s6 =	simm.s32 $0x108;
	_ =	swait.ge @!p0 [sflag:s8], $0x0  }
0x24: {  	s3 =	sadd.s32 $0x88, s3;
	s6 =	simm.s32 @!p1 $0x1082;
	[sflag:s4] =	ssyncset.s32 $0xFFFFF086  }
0x25: {  	[simem:s6], [sflag:s4] =	dma.local [hbm:s3], $0xF7A  }
0x26: {  	[smem:$0x3F97] =	sst s1;
	(tag) =	ssettag s2;
	_ =	strace s9  }
0x27: {  	s1 =	sld [smem:$0x3FA7]  }
0x28: {  	s2 =	sld [smem:$0x3FA8]  }
0x29: {  	s4 =	sld [smem:$0x3FAA]  }
0x2a: {  	p0 =	seq.s32 s5, $0x0;
	s5 =	sld [smem:$0x3FAB]  }
0x2b: {  	s6 =	sld [smem:$0x3FAC]  }
0x2c: {  	s7 =	sld [smem:$0x3FAD]  }
0x2d: {  	s3 =	simm.s32 $0x108;
	s8 =	sld [smem:$0x3FAE]  }
0x2e: {  	s3 =	simm.s32 @!p0 $0x1082;
	s9 =	sld [smem:$0x3FAF]  }
0x2f: {  	lr =	sadd.s32 s0, s3;
	s0 =	sld [smem:$0x3FA6]  }
0x30: {  	s3 =	sld [smem:$0x3FA9]  }
0x31: {  	[smem:$0x3FB2] =	sst s10  }
0x32: {  	s10 =	sld [smem:$0x3FB0];
	_ =	sdelay $0x3  }
0x33: {  	p0 =	seq.s32 s10, $0x1;
	s10 =	sld [smem:$0x3FB2];
	_ =	sdelay $0x3  }
0x34: {  	[smem:$0x3FB2] =	sst s10  }
0x35: {  	s10 =	sld [smem:$0x3FB1];
	_ =	sdelay $0x3  }
0x36: {  	p1 =	seq.s32 s10, $0x1;
	s10 =	sld [smem:$0x3FB2];
	_ =	sdelay $0x3  }
0x37: {  	[smem:$0x3FB2] =	sst s10  }
0x38: {  	s10 =	sld [smem:$0x3FB3]  }
0x39: {  	_ = 	snop;
	(pc) =	sbr.ind lr, $3  }
0x3a: {  	_ = 	snop  }
0x3b: {  	_ = 	snop  }
0x3c: {  	p2 =	seq.s32 s10, $0x1;
	s10 =	sld [smem:$0x3FB2]  }
0x3d: {  	_ =	shalt  }
0x3e: {  	_ =	shalt  }
0x3f: {  	_ =	shalt  }
0x40: {  	_ =	shalt  }
0x41: {  	_ =	shalt  }
0x42: {  	_ =	shalt  }
0x43: {  	_ =	shalt  }
0x44: {  	_ =	shalt  }
0x45: {  	_ =	shalt  }
0x46: {  	_ =	shalt  }
0x47: {  	_ =	shalt  }
0x48: {  	_ =	shalt  }
0x49: {  	_ =	shalt  }
0x4a: {  	_ =	shalt  }
0x4b: {  	_ =	shalt  }
0x4c: {  	_ =	shalt  }
0x4d: {  	_ =	shalt  }
0x4e: {  	_ =	shalt  }
0x4f: {  	_ =	shalt  }
0x50: {  	_ =	shalt  }
0x51: {  	_ =	shalt  }
0x52: {  	_ =	shalt  }
0x53: {  	_ =	shalt  }
0x54: {  	_ =	shalt  }
0x55: {  	_ =	shalt  }
0x56: {  	_ =	shalt  }
0x57: {  	_ =	shalt  }
0x58: {  	_ =	shalt  }
0x59: {  	_ =	shalt  }
0x5a: {  	_ =	shalt  }
0x5b: {  	_ =	shalt  }
0x5c: {  	_ =	shalt  }
0x5d: {  	_ =	shalt  }
0x5e: {  	_ =	shalt  }
0x5f: {  	_ =	shalt  }
0x60: {  	_ =	shalt  }
0x61: {  	_ =	shalt  }
0x62: {  	_ =	shalt  }
0x63: {  	_ =	shalt  }
0x64: {  	_ =	shalt  }
0x65: {  	_ =	shalt  }
0x66: {  	_ =	shalt  }
0x67: {  	_ =	shalt  }
0x68: {  	_ =	shalt  }
0x69: {  	_ =	shalt  }
0x6a: {  	_ =	shalt  }
0x6b: {  	_ =	shalt  }
0x6c: {  	_ =	shalt  }
0x6d: {  	_ =	shalt  }
0x6e: {  	_ =	shalt  }
0x6f: {  	_ =	shalt  }
0x70: {  	_ =	shalt  }
0x71: {  	_ =	shalt  }
0x72: {  	_ =	shalt  }
0x73: {  	_ =	shalt  }
0x74: {  	_ =	shalt  }
0x75: {  	_ =	shalt  }
0x76: {  	_ =	shalt  }
0x77: {  	_ =	shalt  }
0x78: {  	_ =	shalt  }
0x79: {  	_ =	shalt  }
0x7a: {  	_ =	shalt  }
0x7b: {  	_ =	shalt  }
0x7c: {  	_ =	shalt  }
0x7d: {  	_ =	shalt  }
0x7e: {  	_ =	shalt  }
0x7f: {  	_ =	shalt  }
0x80: {  	_ =	shalt  }
0x81: {  	_ =	shalt  }
0x82: {  	_ =	shalt  }
0x83: {  	_ =	shalt  }
0x84: {  	_ =	shalt  }
0x85: {  	_ =	shalt  }
0x86: {  	_ =	shalt  }
0x87: {  	_ =	shalt  }
.Lfunc_end0:
.L_simem_size_0:
called_computation.1_lowered:
.L_overlay_start_0:
0x88: {  	s2 =	sld [smem:$0x3FD9]  }
0x89: {  	s3 =	sld [smem:$0x3FFE];
	_ =	sdelay $0x1  }
0x8a: {  	s1 =	srdreg.scid  }
0x8b: {  	s0 =	sand.u32 $0x1, s1  }
0x8c: {  	s14 =	sshll.u32 s0, $0xA;
	s2 =	sadd.s32 s3, s2  }
0x8d: {  	s2 =	sadd.s32 s2, s14  }
0x8e: {  	[smem:$0x3FBE] =	sst s2  }
0x8f: {  	_ = 	snop  }
0x90: {  	s2 =	sld [smem:$0x3FD0];
	_ =	sdelay $0x2  }
0x91: {  	s15 =	simm.s32 $0xA;
	s4 =	simm.s32 $0x10  }
0x92: {  	[smem:s4], [sflag:s15] =	dma.local [hbm:s2], $0x1  }
0x93: {  	_ =	swait.eq [sflag:s15], $0x1  }
0x94: {  	[sflag:s15] =	ssyncset.done $0x0  }
0x95: {  	[sflag:s15] =	ssyncadd.s32 $0xFFFFFFFF  }
0x96: {  	s16 =	sld [smem:$0x10];
	(tm) =	ssettm $0x1  }
0x97: {  	s17 =	sld [smem:$0x3FFB];
	_ =	sdelay $0x3  }
0x98: {  	_ =	strace s17  }
0x99: {  	s3 =	sld [smem:$0x3FFC];
	_ =	sdelay $0x3  }
0x9a: {  	_ =	strace s3  }
0x9b: {  	s3 =	sld [smem:$0x3FFD];
	_ =	sdelay $0x3  }
0x9c: {  	_ =	strace s3  }
0x9d: {  	_ =	strace $0x8FFFFFFF  }
0x9e: {  	s18 =	sld [smem:$0x3FDB];
	_ =	sdelay $0x1  }
0x9f: {  	s19 =	simm.s32 $_scs_section_size  }
0xa0: {  	s5 =	simm.s32 $_size__tile_overlayer_lowered;
	s6 =	simm.s32 $_tile_overlayer_lowered  }
0xa1: {  	s22 =	simm.s32 $0x1BFF;
	s21 =	sshll.u32 s6, $0x1;
	s3 =	sadd.s32 s19, s18  }
0xa2: {  	s7 =	simm.s32 $0x0;
	s20 =	sshll.u32 s5, $0x1;
	s5 =	sadd.s32 s21, s3  }
0xa3: {  	[timem:s7], [sflag:s22] =	dma.local [hbm:s5], s20  }
0xa4: {  	_ =	swait.ge [sflag:s22], s20  }
0xa5: {  	s4 =	ssub.s32 $0x0, s20;
	[sflag:s22] =	ssyncset.done $0x0  }
0xa6: {  	[sflag:s22] =	ssyncadd.s32 s4;
	_ =	sdelay $0x1  }
0xa7: {  	s23 =	simm.s32 $0x1B8B  }
0xa8: {  	_ =	swait.ge [sflag:s23], $0x1  }
0xa9: {  	[sflag:s23] =	ssyncset.done $0x0  }
0xaa: {  	s25 =	simm.s32 $0x1B8E;
	s24 =	sld [smem:$0x3FFE];
	[sflag:s23] =	ssyncadd.s32 $0xFFFFFFFF  }
0xab: {  	s26 =	simm.s32 $execute0_lowered;
	[smem:$0x3FD2] =	sst s25  }
0xac: {  	s5 =	sshll.u32 s26, $0x1;
	_ =	strace $0x80000049;
	[dreg:$0x1] =	wrdreg $0xFFFFFFFF  }
0xad: {  	s28 =	simm.s32 $_size_execute0_lowered;
	s3 =	sadd.s32 s3, s5;
	[dreg:$0x0] =	wrdreg $0x0  }
0xae: {  	s5 =	sshll.u32 s28, $0x1;
	[dreg:$0x2] =	wrdreg s3  }
0xaf: {  	[dreg:$0x3] =	wrdreg s5  }
0xb0: {  	[dreg:$0x4] =	wrdreg $0xC0  }
0xb1: {  	_ =	task [dreg:s7], $0x5FFFF  }
0xb2: {  	[dreg:$0x1] =	wrdreg $0xFFFFFFFF  }
0xb3: {  	[dreg:$0x0] =	wrdreg $0x60  }
0xb4: {  	[dreg:$0x2] =	wrdreg s16  }
0xb5: {  	[dreg:$0x3] =	wrdreg s24  }
0xb6: {  	[dreg:$0x4] =	wrdreg $0x9  }
0xb7: {  	_ =	task.clear_ibuf [dreg:s7], $0x5FFFF;
	_ =	strace $0x90000049  }
0xb8: {  	s29 =	simm.s32 $0x9;
	_ =	strace $0x8000004B  }
0xb9: {  	_ =	swait.ge [sflag:s29], $0x1  }
0xba: {  	[sflag:s29] =	ssyncadd.s32 $0xFFFFFFFF  }
0xbb: {  	_ =	strace $0x9000004B  }
0xbc: {  	_ =	sfence  }
0xbd: {  	s30 =	sld [smem:$0x0];
	_ =	sdelay $0x2  }
0xbe: {  	s31 =	sshll.u32 s1, $0xD;
	s1 =	sshrl.u32 s1, $0x2  }
0xbf: {  	s3 =	sand.u32 $0x4000, s31;
	s1 =	sadd.s32 s1, s30  }
0xc0: {  	s0 =	sor.u32 s3, s0;
	s1 =	sshll.u32 s1, $0x11  }
0xc1: {  	s0 =	sor.u32 s1, s0  }
0xc2: {  	s0 =	sadd.s32 $0x8F2B, s0  }
0xc3: {  	[sflag:s0] =	ssyncadd.remote.s32 $0x1  }
0xc4: {  	_ =	sfence.sel $0xFFFF  }
0xc5: {  	[dreg:$0x0] =	wrdreg $0xFFFFFFFF;
	(pc) =	sbr.abs _section_cstart, $3  }
0xc6: {  	[dreg:$0x1] =	wrdreg $0xFFFFFFFF  }
0xc7: {  	_ =	task.clear_ibuf [dreg:s7], $0x2FFFF;
	_ =	strace $0x9FFFFFFF  }
0xc8: {  	(tm) =	ssettm $0x7FFFFFFF  }
0xc9: {  	_ =	shalt  }
tec
execute0_lowered:
.L_overlay_start_1:
0x0: {  	(tag) =	ssettag $0x1  }
0x1: {  	s12 =	rddreg [dreg:$0x0]  }
0x2: {  	s10 =	rddreg [dreg:$0x1];
	s2 =	simm.s32 $0x0  }
0x3: {  	s11 =	simm.s32 $0x880;
	[smem:$0x7FF] =	sst s2  }
0x4: {  	s14 =	simm.s32 $0x1080;
	_ =	strace $0x8000004A;
	[dreg:$0x5] =	wrdreg s11  }
0x5: {  	s16 =	simm.s32 $0x1880;
	[dreg:$0x6] =	wrdreg s14  }
0x6: {  	s0 =	stileid.u32;
	s17 =	simm.s32 $0x2080;
	[dreg:$0x7] =	wrdreg s16  }
0x7: {  	s4 =	srdreg.scid;
	s18 =	simm.s32 $0x2880;
	[dreg:$0x8] =	wrdreg s17  }
0x8: {  	s19 =	simm.s32 $0x3080;
	s7 =	simm.s32 $0x3880;
	[dreg:$0x9] =	wrdreg s18  }
0x9: {  	s20 =	simm.s32 $0x5880;
	s21 =	simm.s32 $0x6080;
	[dreg:$0xa] =	wrdreg s19  }
0xa: {  	s22 =	simm.s32 $0x6880;
	s23 =	simm.s32 $0x7080;
	[dreg:$0xb] =	wrdreg s7  }
0xb: {  	s24 =	simm.s32 $0x7880;
	s25 =	simm.s32 $0x8080;
	[dreg:$0xf] =	wrdreg s20  }
0xc: {  	s26 =	simm.s32 $0x8880;
	s30 =	simm.s32 $0x9080;
	[dreg:$0x10] =	wrdreg s21  }
0xd: {  	s31 =	simm.s32 $0x9880;
	s28 =	simm.s32 $0x1;
	[dreg:$0x11] =	wrdreg s22  }
0xe: {  	s29 =	simm.s32 $0x0;
	s3 =	sshll.u32 s0, $0x7;
	[dreg:$0x12] =	wrdreg s23  }
0xf: {  	s13 =	sand.u32 $0x1, s4;
	s4 =	sadd.s32 $0x2500, s10;
	[dreg:$0x13] =	wrdreg s24  }
0x10: {  	s5 =	sadd.s32 s3, s10;
	s9 =	sshll.u32 s13, $0x6;
	[dreg:$0x14] =	wrdreg s25  }
0x11: {  	s15 =	ssub.s32 $0x2, s13;
	s7 =	sadd.s32 $0x2800, s10;
	[dreg:$0x15] =	wrdreg s26  }
0x12: {  	s14 =	simm.s32 $0x5080;
	s13 =	sshll.u32 s13, $0xF;
	[dreg:$0x16] =	wrdreg s30  }
0x13: {  	[dreg:$0x17] =	wrdreg s31;
	s16 =	simm.s32 $0xA880;
	s17 =	simm.s32 $0xB080  }
0x14: {  	s18 =	simm.s32 $0xB880;
	s19 =	simm.s32 $0xC080;
	s20 =	simm.s32 $0xC880  }
0x15: {  	s21 =	simm.s32 $0xD080;
	s22 =	simm.s32 $0xD880;
	s23 =	simm.s32 $0xE080  }
0x16: {  	s24 =	simm.s32 $0xE880;
	s25 =	simm.s32 $0xF080;
	s26 =	simm.s32 $0xF880  }
0x17: {  	s8 =	sadd.s32 $0x1000, s5;
	s3 =	sor.u32 s9, s3;
	[dreg:$0xe] =	wrdreg s14  }
0x18: {  	s6 =	sshrl.u32 s15, $0x1;
	s5 =	sadd.s32 $0x2600, s10;
	[dreg:$0x3] =	wrdreg s8  }
0x19: {  	s9 =	simm.s32 $0x4880;
	s14 =	simm.s32 $0x80;
	[dreg:$0x4] =	wrdreg s3  }
0x1a: {  	s3 =	sadd.s32 $0x2400, s10;
	s11 =	ssub.s32 s15, s6;
	s6 =	sadd.s32 $0x2700, s10  }
0x1b: {  	s8 =	simm.s32 $0x4080;
	[dreg:$0xd] =	wrdreg s9;
	s9 =	sadd.s32 $0x2A00, s10  }
0x1c: {  	v2 =	vlaneseq.u32;
	s15 =	sshll.u32 s0, $0x10;
	[dreg:$0xc] =	wrdreg s8;
	s8 =	sadd.s32 $0x2900, s10  }
0x1d: {  	vm0 =	vmmov $0xffff;
	v1 =	vshrl.u32 v2, $0x3;
	s10 =	sadd.s32 $0x2B00, s10;
	s11 =	smax.u32 s11, $0x1;
	s12 =	sadd.s32 s15, s12  }
0x1e: {  	v0 =	vand.u32 $0x7, v2;
	v2 =	vor.u32 $0x8, v2;
	v1 =	vmul.u32 $0x8, v1;
	s15 =	simm.s32 $0xA080;
	s12 =	sadd.s32 s13, s12;
	s13 =	simm.s32 $0x2  }
.LBB2_1:
0x1f: {  	s30 =	smov.u32 s12;
	s31 =	simm.s32 $0x0  }
.LBB2_2:
0x20: {  	s0 =	rddreg [dreg:$0x4]  }
0x21: {  	s0 =	sadd.s32 s31, s0  }
0x22: {  	s1 =	rddreg [dreg:$0x3];
	s0 =	sand.u32 $0x70, s0  }
0x23: {  	s0 =	sadd.s32 s0, s1  }
0x24: {  	[tilespmem:s2], [sflag:$0x2] =	stream.linear.gather [hbm4b:s0+s2], $0x80, $0x38;
	[tilespmem:$0x10080] =	vst v63  }
0x25: {  	_ =	swait.ge [sflag:s13], $0x80  }
0x26: {  	[sflag:s13] =	ssyncset.done $0x0  }
0x27: {  	[sflag:s13] =	ssyncadd.s32 $0xFFFFFF80  }
0x28: {  	[tilespmem:s14], [sflag:$0x2] =	stream.linear.gather [hbm4b:s30+s2], $0x10000, $0x38;
	[tilespmem:$0x10080] =	vst v63  }
0x29: {  	_ =	swait.ge [sflag:s13], $0x10000  }
0x2a: {  	[sflag:s13] =	ssyncset.done $0x0  }
0x2b: {  	[sflag:s13] =	ssyncadd.s32 $0xFFFF0000  }
0x2c: {  	v3 =	vld [tilespmem:$0x0];
	_ =	sdelay $0x4  }
0x2d: {  	v4 =	vshll.u32 v3, $0x4  }
0x2e: {  	v3 =	vand.u32 $0x7, v3;
	v4 =	vand.u32 $0xFFFFFF80, v4  }
0x2f: {  	v3 =	vor.u32 v3, v4  }
0x30: {  	v4 =	vperm.xlane v3, v0;
	_ =	sdelay $0x1  }
0x31: {  	v4 =	vadd.s32 v1, v4;
	_ =	sdelay $0x4  }
0x32: {  	[hbm4b:s3+s2] =	stream.indirect_vreg.scatter [tilespmem:s14], [sflag:$0x1], $0x80, v4, vm0, $0xb8;
	[tilespmem:$0x10080] =	vst v63  }
0x33: {  	s0 =	rddreg [dreg:$0x5]  }
0x34: {  	[hbm4b:s4+s2] =	stream.indirect_vreg.scatter [tilespmem:s0], [sflag:$0x1], $0x80, v4, vm0, $0xb8;
	[tilespmem:$0x10080] =	vst v63  }
0x35: {  	s1 =	rddreg [dreg:$0x6]  }
0x36: {  	[hbm4b:s5+s2] =	stream.indirect_vreg.scatter [tilespmem:s1], [sflag:$0x1], $0x80, v4, vm0, $0xb8;
	[tilespmem:$0x10080] =	vst v63  }
0x37: {  	s0 =	rddreg [dreg:$0x7]  }
0x38: {  	[hbm4b:s6+s2] =	stream.indirect_vreg.scatter [tilespmem:s0], [sflag:$0x1], $0x80, v4, vm0, $0xb8;
	[tilespmem:$0x10080] =	vst v63  }
0x39: {  	s1 =	rddreg [dreg:$0x8]  }
0x3a: {  	[hbm4b:s7+s2] =	stream.indirect_vreg.scatter [tilespmem:s1], [sflag:$0x1], $0x80, v4, vm0, $0xb8;
	[tilespmem:$0x10080] =	vst v63  }
0x3b: {  	v3 =	vperm.xlane v3, v2;
	s0 =	rddreg [dreg:$0x9]  }
0x3c: {  	[hbm4b:s8+s2] =	stream.indirect_vreg.scatter [tilespmem:s0], [sflag:$0x1], $0x80, v4, vm0, $0xb8;
	[tilespmem:$0x10080] =	vst v63  }
0x3d: {  	v3 =	vadd.s32 v1, v3;
	s1 =	rddreg [dreg:$0xa]  }
0x3e: {  	[hbm4b:s9+s2] =	stream.indirect_vreg.scatter [tilespmem:s1], [sflag:$0x1], $0x80, v4, vm0, $0xb8;
	[tilespmem:$0x10080] =	vst v63  }
0x3f: {  	s0 =	rddreg [dreg:$0xb]  }
0x40: {  	[hbm4b:s10+s2] =	stream.indirect_vreg.scatter [tilespmem:s0], [sflag:$0x1], $0x80, v4, vm0, $0xb8;
	[tilespmem:$0x10080] =	vst v63  }
0x41: {  	s1 =	rddreg [dreg:$0xc]  }
0x42: {  	[hbm4b:s3+s2] =	stream.indirect_vreg.scatter [tilespmem:s1], [sflag:$0x1], $0x80, v3, vm0, $0xb8;
	[tilespmem:$0x10080] =	vst v63  }
0x43: {  	s0 =	rddreg [dreg:$0xd]  }
0x44: {  	[hbm4b:s4+s2] =	stream.indirect_vreg.scatter [tilespmem:s0], [sflag:$0x1], $0x80, v3, vm0, $0xb8;
	[tilespmem:$0x10080] =	vst v63  }
0x45: {  	s1 =	rddreg [dreg:$0xe]  }
0x46: {  	[hbm4b:s5+s2] =	stream.indirect_vreg.scatter [tilespmem:s1], [sflag:$0x1], $0x80, v3, vm0, $0xb8;
	[tilespmem:$0x10080] =	vst v63  }
0x47: {  	s0 =	rddreg [dreg:$0xf]  }
0x48: {  	[hbm4b:s6+s2] =	stream.indirect_vreg.scatter [tilespmem:s0], [sflag:$0x1], $0x80, v3, vm0, $0xb8;
	[tilespmem:$0x10080] =	vst v63  }
0x49: {  	s1 =	rddreg [dreg:$0x10]  }
0x4a: {  	[hbm4b:s7+s2] =	stream.indirect_vreg.scatter [tilespmem:s1], [sflag:$0x1], $0x80, v3, vm0, $0xb8;
	[tilespmem:$0x10080] =	vst v63  }
0x4b: {  	s0 =	rddreg [dreg:$0x11]  }
0x4c: {  	[hbm4b:s8+s2] =	stream.indirect_vreg.scatter [tilespmem:s0], [sflag:$0x1], $0x80, v3, vm0, $0xb8;
	[tilespmem:$0x10080] =	vst v63  }
0x4d: {  	s1 =	rddreg [dreg:$0x12]  }
0x4e: {  	[hbm4b:s9+s2] =	stream.indirect_vreg.scatter [tilespmem:s1], [sflag:$0x1], $0x80, v3, vm0, $0xb8;
	[tilespmem:$0x10080] =	vst v63  }
0x4f: {  	s0 =	rddreg [dreg:$0x13]  }
0x50: {  	[hbm4b:s10+s2] =	stream.indirect_vreg.scatter [tilespmem:s0], [sflag:$0x1], $0x80, v3, vm0, $0xb8;
	[tilespmem:$0x10080] =	vst v63  }
0x51: {  	v3 =	vld [tilespmem:$0x10];
	_ =	sdelay $0x4  }
0x52: {  	v63 =	vshll.u32 v3, $0x4  }
0x53: {  	v3 =	vand.u32 $0x7, v3;
	v4 =	vand.u32 $0xFFFFFF80, v63  }
0x54: {  	v3 =	vor.u32 v3, v4  }
0x55: {  	v4 =	vperm.xlane v3, v0;
	_ =	sdelay $0x1  }
0x56: {  	v4 =	vadd.s32 v1, v4;
	_ =	sdelay $0x3  }
0x57: {  	s0 =	rddreg [dreg:$0x14]  }
0x58: {  	[hbm4b:s3+s2] =	stream.indirect_vreg.scatter [tilespmem:s0], [sflag:$0x1], $0x80, v4, vm0, $0xb8;
	[tilespmem:$0x10080] =	vst v63  }
0x59: {  	s1 =	rddreg [dreg:$0x15]  }
0x5a: {  	[hbm4b:s4+s2] =	stream.indirect_vreg.scatter [tilespmem:s1], [sflag:$0x1], $0x80, v4, vm0, $0xb8;
	[tilespmem:$0x10080] =	vst v63  }
0x5b: {  	s0 =	rddreg [dreg:$0x16]  }
0x5c: {  	[hbm4b:s5+s2] =	stream.indirect_vreg.scatter [tilespmem:s0], [sflag:$0x1], $0x80, v4, vm0, $0xb8;
	[tilespmem:$0x10080] =	vst v63  }
0x5d: {  	s1 =	rddreg [dreg:$0x17]  }
0x5e: {  	[hbm4b:s6+s2] =	stream.indirect_vreg.scatter [tilespmem:s1], [sflag:$0x1], $0x80, v4, vm0, $0xb8;
	[tilespmem:$0x10080] =	vst v63  }
0x5f: {  	_ = 	snop  }
0x60: {  	[hbm4b:s7+s2] =	stream.indirect_vreg.scatter [tilespmem:s15], [sflag:$0x1], $0x80, v4, vm0, $0xb8;
	[tilespmem:$0x10080] =	vst v63  }
0x61: {  	v3 =	vperm.xlane v3, v2  }
0x62: {  	[hbm4b:s8+s2] =	stream.indirect_vreg.scatter [tilespmem:s16], [sflag:$0x1], $0x80, v4, vm0, $0xb8;
	[tilespmem:$0x10080] =	vst v63  }
0x63: {  	v3 =	vadd.s32 v1, v3  }
0x64: {  	[hbm4b:s9+s2] =	stream.indirect_vreg.scatter [tilespmem:s17], [sflag:$0x1], $0x80, v4, vm0, $0xb8;
	[tilespmem:$0x10080] =	vst v63  }
0x65: {  	_ = 	snop  }
0x66: {  	[hbm4b:s10+s2] =	stream.indirect_vreg.scatter [tilespmem:s18], [sflag:$0x1], $0x80, v4, vm0, $0xb8;
	[tilespmem:$0x10080] =	vst v63  }
0x67: {  	_ = 	snop  }
0x68: {  	[hbm4b:s3+s2] =	stream.indirect_vreg.scatter [tilespmem:s19], [sflag:$0x1], $0x80, v3, vm0, $0xb8;
	[tilespmem:$0x10080] =	vst v63  }
0x69: {  	_ = 	snop  }
0x6a: {  	[hbm4b:s4+s2] =	stream.indirect_vreg.scatter [tilespmem:s20], [sflag:$0x1], $0x80, v3, vm0, $0xb8;
	[tilespmem:$0x10080] =	vst v63  }
0x6b: {  	_ = 	snop  }
0x6c: {  	[hbm4b:s5+s2] =	stream.indirect_vreg.scatter [tilespmem:s21], [sflag:$0x1], $0x80, v3, vm0, $0xb8;
	[tilespmem:$0x10080] =	vst v63  }
0x6d: {  	_ = 	snop  }
0x6e: {  	[hbm4b:s6+s2] =	stream.indirect_vreg.scatter [tilespmem:s22], [sflag:$0x1], $0x80, v3, vm0, $0xb8;
	[tilespmem:$0x10080] =	vst v63  }
0x6f: {  	_ = 	snop  }
0x70: {  	[hbm4b:s7+s2] =	stream.indirect_vreg.scatter [tilespmem:s23], [sflag:$0x1], $0x80, v3, vm0, $0xb8;
	[tilespmem:$0x10080] =	vst v63  }
0x71: {  	_ = 	snop  }
0x72: {  	[hbm4b:s8+s2] =	stream.indirect_vreg.scatter [tilespmem:s24], [sflag:$0x1], $0x80, v3, vm0, $0xb8;
	[tilespmem:$0x10080] =	vst v63  }
0x73: {  	p0 =	sne.s32 s31, $0x30  }
0x74: {  	[hbm4b:s9+s2] =	stream.indirect_vreg.scatter [tilespmem:s25], [sflag:$0x1], $0x80, v3, vm0, $0xb8;
	[tilespmem:$0x10080] =	vst v63  }
.Ltmp0:
0x75: {  	_ = 	snop;
	(pc) =	sbr.rel @p0 .LBB2_2-.Ltmp0, $4  }
0x76: {  	[hbm4b:s10+s2] =	stream.indirect_vreg.scatter [tilespmem:s26], [sflag:$0x1], $0x80, v3, vm0, $0xb8;
	[tilespmem:$0x10080] =	vst v63  }
0x77: {  	_ =	swait.ge [sflag:s28], $0x10000  }
0x78: {  	[sflag:s28] =	ssyncset.done $0x0  }
0x79: {  	s31 =	sadd.s32 $0x10, s31;
	s30 =	sadd.s32 $0x2000, s30;
	[sflag:s28] =	ssyncadd.s32 $0xFFFF0000  }
0x7a: {  	s29 =	sadd.s32 $0x1, s29  }
0x7b: {  	p0 =	sne.s32 s29, s11  }
.Ltmp1:
0x7c: {  	_ = 	snop;
	(pc) =	sbr.rel @p0 .LBB2_1-.Ltmp1, $1  }
0x7d: {  	_ =	sdelay $0x3  }
0x7e: {  	_ =	sfence.sel $0x180000  }
0x7f: {  	[bflag:$0x0] =	sbarrier.arrive $0xFFFF  }
0x80: {  	_ =	strace $0x9000004A  }
0x81: {  	s0 =	stileid.u32;
	[bflag:$0x2] =	sbarrier.arrive $0xFFFF  }
0x82: {  	p0 =	sne.s32 s0, $0x0;
	s0 =	rddreg [dreg:$0x2]  }
0x83: {  	s0 =	sadd.s32 @!p0 $0x100000, s0  }
0x84: {  	[sflag:s0] =	ssyncadd.tile.s32 @!p0 $0x1;
	_ =	shalt  }
.Lfunc_end2:
_tile_overlayer_lowered:
.L_overlay_start_2:
0x85: {  	(tag) =	ssettag $0x2  }
0x86: {  	s0 =	rddreg [dreg:$0x0];
	s2 =	stileid.u32  }
0x87: {  	s1 =	rddreg [dreg:$0x1];
	p0 =	sne.s32 s2, $0x0  }
0x88: {  	s3 =	rddreg [dreg:$0x2];
	[bflag:$0x3] =	sbarrier.arrive $0xFFFF;
	s2 =	simm.s32 @!p0 $0x1C02  }
0x89: {  	[timem:s3], [sflag:s2] =	dma.local @!p0 [hbm:s0], s1  }
0x8a: {  	s0 =	simm.s32 @!p0 $0x2  }
0x8b: {  	_ =	swait.ge @!p0 [sflag:s0], s1  }
0x8c: {  	s1 =	ssub.s32 @!p0 $0x0, s1;
	[sflag:s0] =	ssyncset.done @!p0 $0x0  }
0x8d: {  	[sflag:s0] =	ssyncadd.s32 @!p0 s1  }
0x8e: {  	[bflag:$0x3] =	sbarrier.arrive $0xFFFF  }
0x8f: {  	_ =	shalt  }

</sc_bundles>
